<compile_context>
chip_gen: v7x
topology: tpu7x:2x2x1
jax: 0.10.2.dev20260603
libtpu: 0.0.44.dev20260713+nightly
codegen_flags: <defaults>
</compile_context>

<pallas_src>
import functools

import jax
import jax.numpy as jnp
from jax import lax
from jax.experimental import pallas as pl
from jax.experimental.pallas import tpu as pltpu
from jax.experimental.pallas import tpu_sc as plsc

_N = 100000
_E = 6400000
_T = 16

_NC, _NS = 2, 16
_NW = _NC * _NS
_NPAD = 100096
_ROWS_P2 = _NPAD // 128
_PER_TILE = _NPAD // _NS
_WSTRIDE = 200064
_CHUNK = 5120
_NCHUNK = 40
_NPAIR = _NCHUNK // 2


@functools.cache
def _build_phase1():
    mesh = plsc.VectorSubcoreMesh(
        core_axis_name="c", subcore_axis_name="s", num_cores=_NC, num_subcores=_NS
    )
    return functools.partial(
        pl.kernel,
        out_type=jax.ShapeDtypeStruct((_NC * _NPAD,), jnp.int32),
        mesh=mesh,
        scratch_types=[
            pltpu.VMEM((_PER_TILE,), jnp.int32),
            pltpu.VMEM((_CHUNK,), jnp.int32),
            pltpu.VMEM((_CHUNK,), jnp.int32),
            pltpu.VMEM((_CHUNK,), jnp.int32),
            pltpu.VMEM_SHARED((_NPAD,), jnp.int32),
            pltpu.SemaphoreType.DMA,
            pltpu.SemaphoreType.DMA,
        ],
    )(_phase1_body)


def _phase1_body(edge_hbm, out_hbm, stage_v, idx_a, idx_b, ones_v, flags_sh, sem_a, sem_b):
    c = lax.axis_index("c")
    s = lax.axis_index("s")
    wid = s * _NC + c

    def _zero(i, carry):
        stage_v[pl.ds(i * 16, 16)] = jnp.zeros((16,), jnp.int32)
        return carry

    lax.fori_loop(jnp.int32(0), jnp.int32(_PER_TILE // 16), _zero, 0)
    pltpu.sync_copy(stage_v, flags_sh.at[pl.ds(s * _PER_TILE, _PER_TILE)])

    def _one(i, carry):
        ones_v[pl.ds(i * 16, 16)] = jnp.ones((16,), jnp.int32)
        return carry

    lax.fori_loop(jnp.int32(0), jnp.int32(_CHUNK // 16), _one, 0)
    plsc.subcore_barrier()

    wstart = wid * _WSTRIDE

    def _base(k):
        b = jnp.minimum(wstart + k * _CHUNK, _E - _CHUNK)
        return pl.multiple_of(b, 128)

    def _start(buf, sem, k):
        pltpu.async_copy(edge_hbm.at[pl.ds(_base(k), _CHUNK)], buf, sem)

    def _wait(buf, sem):
        pltpu.make_async_copy(
            edge_hbm.at[pl.ds(jnp.int32(0), _CHUNK)], buf, sem
        ).wait()

    _start(idx_a, sem_a, jnp.int32(0))

    def _pair(p, carry):
        _start(idx_b, sem_b, 2 * p + 1)
        _wait(idx_a, sem_a)
        pltpu.sync_copy(ones_v, flags_sh.at[idx_a])
        _start(idx_a, sem_a, 2 * p + 2)
        _wait(idx_b, sem_b)
        pltpu.sync_copy(ones_v, flags_sh.at[idx_b])
        return carry

    lax.fori_loop(jnp.int32(0), jnp.int32(_NPAIR), _pair, 0)
    _wait(idx_a, sem_a)
    plsc.subcore_barrier()

    pltpu.sync_copy(flags_sh.at[pl.ds(s * _PER_TILE, _PER_TILE)], stage_v)
    pltpu.sync_copy(stage_v, out_hbm.at[pl.ds(c * _NPAD + s * _PER_TILE, _PER_TILE)])


def _phase2_body(f_ref, sp_ref, cnt_ref, std_ref, bias_ref, o_ref):
    f = f_ref[...]
    sp = sp_ref[...]
    center = (cnt_ref[0] > 0) | (cnt_ref[1] > 0)
    sg = jnp.zeros_like(f)
    bg = jnp.zeros_like(f)
    for t in range(_T):
        m = sp == t
        sg = sg + jnp.where(m, std_ref[t], 0.0)
        bg = bg + jnp.where(m, bias_ref[t], 0.0)
    o_ref[...] = jnp.where(center, f * sg + bg, f)


def kernel(node_features, edge_index, node_type, per_type_std, per_type_bias):
    edge_src = edge_index[0].astype(jnp.int32)
    flags = _build_phase1()(edge_src)

    f_pad = jnp.pad(node_features[:, 0], (0, _NPAD - _N)).reshape(_ROWS_P2, 128)
    sp_pad = jnp.pad(node_type[:, 0].astype(jnp.int32), (0, _NPAD - _N)).reshape(
        _ROWS_P2, 128
    )
    cnt3 = flags.reshape(_NC, _ROWS_P2, 128)

    out2 = pl.pallas_call(
        _phase2_body,
        out_shape=jax.ShapeDtypeStruct((_ROWS_P2, 128), jnp.float32),
        in_specs=[
            pl.BlockSpec(memory_space=pltpu.VMEM),
            pl.BlockSpec(memory_space=pltpu.VMEM),
            pl.BlockSpec(memory_space=pltpu.VMEM),
            pl.BlockSpec(memory_space=pltpu.SMEM),
            pl.BlockSpec(memory_space=pltpu.SMEM),
        ],
    )(f_pad, sp_pad, cnt3, per_type_std[:, 0], per_type_bias[:, 0])

    return out2.reshape(_NPAD)[:_N].reshape(_N, 1)

# --- scband reference (transcript-rebuilt; emitter-appended) ---
"""Pipeline reference for scband-per-type-scale-module-82987358094256 (READ-ONLY COPY).

The authoritative reference and input builder live on the scoring server;
editing this copy changes nothing except your own understanding.
"""

import jax, jax.numpy as jnp
import numpy as np
jax.config.update("jax_enable_x64", True)

N = 100000
E = 6400000
T = 16

def setup_inputs(seed: int = 0) -> dict:
    key = jax.random.key(seed)
    k1, k2, k3, k4, k5 = jax.random.split(key, 5)
    node_features = jax.random.normal(k1, (N, 1), dtype=jnp.float32)
    edge_index = jax.random.randint(k2, (2, E), 0, N, dtype=jnp.int64)
    node_type = jax.random.randint(k3, (N, 1), 0, T, dtype=jnp.int64)
    per_type_std = jax.random.uniform(k4, (T, 1), dtype=jnp.float32, minval=0.5, maxval=1.5)
    per_type_bias = jax.random.normal(k5, (T, 1), dtype=jnp.float32) * 0.1
    return {
        "node_features": node_features,
        "edge_index": edge_index,
        "node_type": node_type,
        "per_type_std": per_type_std,
        "per_type_bias": per_type_bias,
    }

def reference(node_features, edge_index, node_type, per_type_std, per_type_bias):
    # Torch: edge_center = unique(edge_index[0]); apply std-scale then bias ONCE at
    # each unique center node. Equivalent formulation: boolean mask of center nodes
    # (scatter-overwrite of True), then masked scale/bias applied exactly once per node.
    n = node_features.shape[0]
    is_center = jnp.zeros((n,), dtype=bool).at[edge_index[0]].set(True)
    species = node_type[:, 0]  # [N], gather of per-node type
    scale = jnp.where(is_center[:, None], per_type_std[species], 1.0)   # gather from type table
    bias = jnp.where(is_center[:, None], per_type_bias[species], 0.0)   # gather from type table
    out = node_features * scale + bias
    return out

if __name__ == "__main__":
    import jax
    _d = setup_inputs()
    print(jax.jit(kernel)(*tuple(_d.values())))

</pallas_src>

<mosaic_0001>
#map = affine_map<(d0, d1) -> (0)>
module attributes {stable_mosaic.version = 14 : i64} {
  func.func @_phase1_body(%arg0: i32, %arg1: i32, %arg2: memref<6400000xi32, #tpu.memory_space<hbm>>, %arg3: memref<200192xi32, #tpu.memory_space<hbm>>, %arg4: memref<6256xi32, #tpu.memory_space<vmem>>, %arg5: memref<5120xi32, #tpu.memory_space<vmem>>, %arg6: memref<5120xi32, #tpu.memory_space<vmem>>, %arg7: memref<5120xi32, #tpu.memory_space<vmem>>, %arg8: memref<100096xi32, #tpu.memory_space<vmem_shared>>, %arg9: memref<!tpu.dma_semaphore, #tpu.memory_space<semaphore_mem>>, %arg10: memref<!tpu.dma_semaphore, #tpu.memory_space<semaphore_mem>>) attributes {dimension_semantics = [#tpu.dimension_semantics<core_parallel>, #tpu.dimension_semantics<subcore_parallel>], iteration_bounds = array<i64: 2, 16>, scalar_prefetch = 0 : i64, scratch_operands = 7 : i64, tpu.core_type = #tpu.core_type<sc_vector_subcore>, window_params = [{transform_indices = #map}, {transform_indices = #map}]} {
    %mul3A = arith.constant 2 : i32
    %mul3A_0 = arith.muli %arg1, %mul3A : i32
    %add3A = arith.addi %mul3A_0, %arg0 : i32
    %while3A = arith.constant 0 : i64
    %while3A_1 = arith.constant 0 : i32
    %while3A_2 = arith.constant 391 : i32
    %while3A_3 = arith.subi %while3A_2, %while3A_1 : i32
    %while3A_4 = arith.addi %while3A_1, %while3A_3 : i32
    %while3A_5 = arith.constant 1 : i32
    %while3A_6 = arith.divsi %while3A_3, %while3A_5 : i32
    %while3A_7 = arith.muli %while3A_6, %while3A_5 : i32
    %while3A_8 = arith.addi %while3A_1, %while3A_7 : i32
    %while3A_9 = arith.constant 1 : i32
    scf.for %while3A_53 = %while3A_1 to %while3A_8 step %while3A_9  : i32 {
      %broadcast_in_dim3A = arith.constant 0 : i32
      %broadcast_in_dim3A_54 = vector.broadcast %broadcast_in_dim3A : i32 to vector<16xi32>
      %mul3A_55 = arith.constant 16 : i32
      %mul3A_56 = arith.muli %while3A_53, %mul3A_55 : i32
      %swap3A = arith.index_cast %mul3A_56 : i32 to index
      %swap3A_57 = tpu.vector_load %arg4[%swap3A] {strides = array<i32>} : memref<6256xi32, #tpu.memory_space<vmem>>, vector<16xi32>,
      %swap3A_58 = vector.shape_cast %swap3A_57 : vector<16xi32> to vector<16xi32>
      %swap3A_59 = vector.shape_cast %broadcast_in_dim3A_54 : vector<16xi32> to vector<16xi32>
      tpu.vector_store %arg4[%swap3A], %swap3A_59 {strides = array<i32>} : memref<6256xi32, #tpu.memory_space<vmem>>, vector<16xi32>,
    }
    %while3A_10 = arith.constant 1 : i32
    scf.for %while3A_53 = %while3A_8 to %while3A_4 step %while3A_10  : i32 {
      %broadcast_in_dim3A = arith.constant 0 : i32
      %broadcast_in_dim3A_54 = vector.broadcast %broadcast_in_dim3A : i32 to vector<16xi32>
      %mul3A_55 = arith.constant 16 : i32
      %mul3A_56 = arith.muli %while3A_53, %mul3A_55 : i32
      %swap3A = arith.index_cast %mul3A_56 : i32 to index
      %swap3A_57 = tpu.vector_load %arg4[%swap3A] {strides = array<i32>} : memref<6256xi32, #tpu.memory_space<vmem>>, vector<16xi32>,
      %swap3A_58 = vector.shape_cast %swap3A_57 : vector<16xi32> to vector<16xi32>
      %swap3A_59 = vector.shape_cast %broadcast_in_dim3A_54 : vector<16xi32> to vector<16xi32>
      tpu.vector_store %arg4[%swap3A], %swap3A_59 {strides = array<i32>} : memref<6256xi32, #tpu.memory_space<vmem>>, vector<16xi32>,
    }
    %mul3A_11 = arith.constant 6256 : i32
    %mul3A_12 = arith.muli %arg1, %mul3A_11 : i32
    "tpu.region"() ({
      %run_scoped3A = tpu.sem_alloc : memref<!tpu.dma_semaphore, #tpu.memory_space<semaphore_mem>>
      %dma_start3A_53 = tpu.memref_slice %arg8[%mul3A_12] : memref<100096xi32, #tpu.memory_space<vmem_shared>> -> memref<6256xi32, #tpu.memory_space<vmem_shared>>
      %dma_start3A_54 = tpu.memref_slice %arg8[%mul3A_12] : memref<100096xi32, #tpu.memory_space<vmem_shared>> -> memref<6256xi32, #tpu.memory_space<vmem_shared>>
      tpu.enqueue_dma source(%arg4 : memref<6256xi32, #tpu.memory_space<vmem>>) target(%dma_start3A_54 : memref<6256xi32, #tpu.memory_space<vmem_shared>>) target_semaphore(%run_scoped3A : memref<!tpu.dma_semaphore, #tpu.memory_space<semaphore_mem>>)
      %dma_wait3A_55 = tpu.memref_slice %arg8[%mul3A_12] : memref<100096xi32, #tpu.memory_space<vmem_shared>> -> memref<6256xi32, #tpu.memory_space<vmem_shared>>
      %dma_wait3A_56 = tpu.memref_slice %arg8[%mul3A_12] : memref<100096xi32, #tpu.memory_space<vmem_shared>> -> memref<6256xi32, #tpu.memory_space<vmem_shared>>
      tpu.wait_dma2 semaphore(%run_scoped3A : memref<!tpu.dma_semaphore, #tpu.memory_space<semaphore_mem>>) src(%arg4 : memref<6256xi32, #tpu.memory_space<vmem>>) dst(%dma_wait3A_56 : memref<6256xi32, #tpu.memory_space<vmem_shared>>)
      tpu.yield
    }) : () -> ()
    %while3A_13 = arith.constant 0 : i64
    %while3A_14 = arith.constant 0 : i32
    %while3A_15 = arith.constant 320 : i32
    %while3A_16 = arith.subi %while3A_15, %while3A_14 : i32
    %while3A_17 = arith.addi %while3A_14, %while3A_16 : i32
    %while3A_18 = arith.constant 1 : i32
    %while3A_19 = arith.divsi %while3A_16, %while3A_18 : i32
    %while3A_20 = arith.muli %while3A_19, %while3A_18 : i32
    %while3A_21 = arith.addi %while3A_14, %while3A_20 : i32
    %while3A_22 = arith.constant 1 : i32
    scf.for %while3A_53 = %while3A_14 to %while3A_21 step %while3A_22  : i32 {
      %broadcast_in_dim3A = arith.constant 1 : i32
      %broadcast_in_dim3A_54 = vector.broadcast %broadcast_in_dim3A : i32 to vector<16xi32>
      %mul3A_55 = arith.constant 16 : i32
      %mul3A_56 = arith.muli %while3A_53, %mul3A_55 : i32
      %swap3A = arith.index_cast %mul3A_56 : i32 to index
      %swap3A_57 = tpu.vector_load %arg7[%swap3A] {strides = array<i32>} : memref<5120xi32, #tpu.memory_space<vmem>>, vector<16xi32>,
      %swap3A_58 = vector.shape_cast %swap3A_57 : vector<16xi32> to vector<16xi32>
      %swap3A_59 = vector.shape_cast %broadcast_in_dim3A_54 : vector<16xi32> to vector<16xi32>
      tpu.vector_store %arg7[%swap3A], %swap3A_59 {strides = array<i32>} : memref<5120xi32, #tpu.memory_space<vmem>>, vector<16xi32>,
    }
    %while3A_23 = arith.constant 1 : i32
    scf.for %while3A_53 = %while3A_21 to %while3A_17 step %while3A_23  : i32 {
      %broadcast_in_dim3A = arith.constant 1 : i32
      %broadcast_in_dim3A_54 = vector.broadcast %broadcast_in_dim3A : i32 to vector<16xi32>
      %mul3A_55 = arith.constant 16 : i32
      %mul3A_56 = arith.muli %while3A_53, %mul3A_55 : i32
      %swap3A = arith.index_cast %mul3A_56 : i32 to index
      %swap3A_57 = tpu.vector_load %arg7[%swap3A] {strides = array<i32>} : memref<5120xi32, #tpu.memory_space<vmem>>, vector<16xi32>,
      %swap3A_58 = vector.shape_cast %swap3A_57 : vector<16xi32> to vector<16xi32>
      %swap3A_59 = vector.shape_cast %broadcast_in_dim3A_54 : vector<16xi32> to vector<16xi32>
      tpu.vector_store %arg7[%swap3A], %swap3A_59 {strides = array<i32>} : memref<5120xi32, #tpu.memory_space<vmem>>, vector<16xi32>,
    }
    %barrier3A = arith.constant 0 : index
    tpu.barrier barrier_id(%barrier3A)
    %mul3A_24 = arith.constant 200064 : i32
    %mul3A_25 = arith.muli %add3A, %mul3A_24 : i32
    %mul3A_26 = arith.constant 0 : i32
    %mul3A_27 = arith.constant 5120 : i32
    %mul3A_28 = arith.muli %mul3A_26, %mul3A_27 : i32
    %add3A_29 = arith.addi %mul3A_25, %mul3A_28 : i32
    %min3A = arith.constant 6394880 : i32
    %min3A_30 = arith.minsi %add3A_29, %min3A : i32
    %multiple_of3A = tpu.assume_multiple %min3A_30, 128 : i32
    %dma_start3A = tpu.memref_slice %arg2[%multiple_of3A] : memref<6400000xi32, #tpu.memory_space<hbm>> -> memref<5120xi32, #tpu.memory_space<hbm>>
    %dma_start3A_31 = tpu.memref_slice %arg2[%multiple_of3A] : memref<6400000xi32, #tpu.memory_space<hbm>> -> memref<5120xi32, #tpu.memory_space<hbm>>
    tpu.enqueue_dma source(%dma_start3A_31 : memref<5120xi32, #tpu.memory_space<hbm>>) target(%arg5 : memref<5120xi32, #tpu.memory_space<vmem>>) target_semaphore(%arg9 : memref<!tpu.dma_semaphore, #tpu.memory_space<semaphore_mem>>)
    %while3A_32 = arith.constant 0 : i64
    %while3A_33 = arith.constant 0 : i32
    %while3A_34 = arith.constant 20 : i32
    %while3A_35 = arith.subi %while3A_34, %while3A_33 : i32
    %while3A_36 = arith.addi %while3A_33, %while3A_35 : i32
    %while3A_37 = arith.constant 1 : i32
    %while3A_38 = arith.divsi %while3A_35, %while3A_37 : i32
    %while3A_39 = arith.muli %while3A_38, %while3A_37 : i32
    %while3A_40 = arith.addi %while3A_33, %while3A_39 : i32
    %while3A_41 = arith.constant 1 : i32
    scf.for %while3A_53 = %while3A_33 to %while3A_40 step %while3A_41  : i32 {
      %mul3A_54 = arith.constant 2 : i32
      %mul3A_55 = arith.muli %mul3A_54, %while3A_53 : i32
      %add3A_56 = arith.constant 1 : i32
      %add3A_57 = arith.addi %mul3A_55, %add3A_56 : i32
      %mul3A_58 = arith.constant 5120 : i32
      %mul3A_59 = arith.muli %add3A_57, %mul3A_58 : i32
      %add3A_60 = arith.addi %mul3A_25, %mul3A_59 : i32
      %min3A_61 = arith.constant 6394880 : i32
      %min3A_62 = arith.minsi %add3A_60, %min3A_61 : i32
      %multiple_of3A_63 = tpu.assume_multiple %min3A_62, 128 : i32
      %dma_start3A_64 = tpu.memref_slice %arg2[%multiple_of3A_63] : memref<6400000xi32, #tpu.memory_space<hbm>> -> memref<5120xi32, #tpu.memory_space<hbm>>
      %dma_start3A_65 = tpu.memref_slice %arg2[%multiple_of3A_63] : memref<6400000xi32, #tpu.memory_space<hbm>> -> memref<5120xi32, #tpu.memory_space<hbm>>
      tpu.enqueue_dma source(%dma_start3A_65 : memref<5120xi32, #tpu.memory_space<hbm>>) target(%arg6 : memref<5120xi32, #tpu.memory_space<vmem>>) target_semaphore(%arg10 : memref<!tpu.dma_semaphore, #tpu.memory_space<semaphore_mem>>)
      %dma_wait3A_66 = arith.constant 0 : i32
      %dma_wait3A_67 = tpu.memref_slice %arg2[%dma_wait3A_66] : memref<6400000xi32, #tpu.memory_space<hbm>> -> memref<5120xi32, #tpu.memory_space<hbm>>
      %dma_wait3A_68 = tpu.memref_slice %arg2[%dma_wait3A_66] : memref<6400000xi32, #tpu.memory_space<hbm>> -> memref<5120xi32, #tpu.memory_space<hbm>>
      tpu.wait_dma2 semaphore(%arg9 : memref<!tpu.dma_semaphore, #tpu.memory_space<semaphore_mem>>) src(%dma_wait3A_68 : memref<5120xi32, #tpu.memory_space<hbm>>) dst(%arg5 : memref<5120xi32, #tpu.memory_space<vmem>>)
      "tpu.region"() ({
        %run_scoped3A = tpu.sem_alloc : memref<!tpu.dma_semaphore, #tpu.memory_space<semaphore_mem>>
        %dma_start3A_84 = arith.constant 0 : i32
        %dma_start3A_85 = tpu.memref_slice %arg8[%dma_start3A_84] : memref<100096xi32, #tpu.memory_space<vmem_shared>> -> memref<100096xi32, #tpu.memory_space<vmem_shared>>
        tpu.enqueue_indirect_dma source(%arg7 : memref<5120xi32, #tpu.memory_space<vmem>>) target(%dma_start3A_85 : memref<100096xi32, #tpu.memory_space<vmem_shared>>) offsets(%arg5 : memref<5120xi32, #tpu.memory_space<vmem>>) semaphore(%run_scoped3A : memref<!tpu.dma_semaphore, #tpu.memory_space<semaphore_mem>>)
        %dma_wait3A_86 = arith.constant 0 : i32
        %dma_wait3A_87 = tpu.memref_slice %arg8[%dma_wait3A_86] : memref<100096xi32, #tpu.memory_space<vmem_shared>> -> memref<100096xi32, #tpu.memory_space<vmem_shared>>
        tpu.wait_indirect_dma semaphore(%run_scoped3A : memref<!tpu.dma_semaphore, #tpu.memory_space<semaphore_mem>>) src(%arg7 : memref<5120xi32, #tpu.memory_space<vmem>>) dst(%dma_wait3A_87 : memref<100096xi32, #tpu.memory_space<vmem_shared>>)
        tpu.yield
      }) : () -> ()
      %mul3A_69 = arith.constant 2 : i32
      %mul3A_70 = arith.muli %mul3A_69, %while3A_53 : i32
      %add3A_71 = arith.constant 2 : i32
      %add3A_72 = arith.addi %mul3A_70, %add3A_71 : i32
      %mul3A_73 = arith.constant 5120 : i32
      %mul3A_74 = arith.muli %add3A_72, %mul3A_73 : i32
      %add3A_75 = arith.addi %mul3A_25, %mul3A_74 : i32
      %min3A_76 = arith.constant 6394880 : i32
      %min3A_77 = arith.minsi %add3A_75, %min3A_76 : i32
      %multiple_of3A_78 = tpu.assume_multiple %min3A_77, 128 : i32
      %dma_start3A_79 = tpu.memref_slice %arg2[%multiple_of3A_78] : memref<6400000xi32, #tpu.memory_space<hbm>> -> memref<5120xi32, #tpu.memory_space<hbm>>
      %dma_start3A_80 = tpu.memref_slice %arg2[%multiple_of3A_78] : memref<6400000xi32, #tpu.memory_space<hbm>> -> memref<5120xi32, #tpu.memory_space<hbm>>
      tpu.enqueue_dma source(%dma_start3A_80 : memref<5120xi32, #tpu.memory_space<hbm>>) target(%arg5 : memref<5120xi32, #tpu.memory_space<vmem>>) target_semaphore(%arg9 : memref<!tpu.dma_semaphore, #tpu.memory_space<semaphore_mem>>)
      %dma_wait3A_81 = arith.constant 0 : i32
      %dma_wait3A_82 = tpu.memref_slice %arg2[%dma_wait3A_81] : memref<6400000xi32, #tpu.memory_space<hbm>> -> memref<5120xi32, #tpu.memory_space<hbm>>
      %dma_wait3A_83 = tpu.memref_slice %arg2[%dma_wait3A_81] : memref<6400000xi32, #tpu.memory_space<hbm>> -> memref<5120xi32, #tpu.memory_space<hbm>>
      tpu.wait_dma2 semaphore(%arg10 : memref<!tpu.dma_semaphore, #tpu.memory_space<semaphore_mem>>) src(%dma_wait3A_83 : memref<5120xi32, #tpu.memory_space<hbm>>) dst(%arg6 : memref<5120xi32, #tpu.memory_space<vmem>>)
      "tpu.region"() ({
        %run_scoped3A = tpu.sem_alloc : memref<!tpu.dma_semaphore, #tpu.memory_space<semaphore_mem>>
        %dma_start3A_84 = arith.constant 0 : i32
        %dma_start3A_85 = tpu.memref_slice %arg8[%dma_start3A_84] : memref<100096xi32, #tpu.memory_space<vmem_shared>> -> memref<100096xi32, #tpu.memory_space<vmem_shared>>
        tpu.enqueue_indirect_dma source(%arg7 : memref<5120xi32, #tpu.memory_space<vmem>>) target(%dma_start3A_85 : memref<100096xi32, #tpu.memory_space<vmem_shared>>) offsets(%arg6 : memref<5120xi32, #tpu.memory_space<vmem>>) semaphore(%run_scoped3A : memref<!tpu.dma_semaphore, #tpu.memory_space<semaphore_mem>>)
        %dma_wait3A_86 = arith.constant 0 : i32
        %dma_wait3A_87 = tpu.memref_slice %arg8[%dma_wait3A_86] : memref<100096xi32, #tpu.memory_space<vmem_shared>> -> memref<100096xi32, #tpu.memory_space<vmem_shared>>
        tpu.wait_indirect_dma semaphore(%run_scoped3A : memref<!tpu.dma_semaphore, #tpu.memory_space<semaphore_mem>>) src(%arg7 : memref<5120xi32, #tpu.memory_space<vmem>>) dst(%dma_wait3A_87 : memref<100096xi32, #tpu.memory_space<vmem_shared>>)
        tpu.yield
      }) : () -> ()
    }
    %while3A_42 = arith.constant 1 : i32
    scf.for %while3A_53 = %while3A_40 to %while3A_36 step %while3A_42  : i32 {
      %mul3A_54 = arith.constant 2 : i32
      %mul3A_55 = arith.muli %mul3A_54, %while3A_53 : i32
      %add3A_56 = arith.constant 1 : i32
      %add3A_57 = arith.addi %mul3A_55, %add3A_56 : i32
      %mul3A_58 = arith.constant 5120 : i32
      %mul3A_59 = arith.muli %add3A_57, %mul3A_58 : i32
      %add3A_60 = arith.addi %mul3A_25, %mul3A_59 : i32
      %min3A_61 = arith.constant 6394880 : i32
      %min3A_62 = arith.minsi %add3A_60, %min3A_61 : i32
      %multiple_of3A_63 = tpu.assume_multiple %min3A_62, 128 : i32
      %dma_start3A_64 = tpu.memref_slice %arg2[%multiple_of3A_63] : memref<6400000xi32, #tpu.memory_space<hbm>> -> memref<5120xi32, #tpu.memory_space<hbm>>
      %dma_start3A_65 = tpu.memref_slice %arg2[%multiple_of3A_63] : memref<6400000xi32, #tpu.memory_space<hbm>> -> memref<5120xi32, #tpu.memory_space<hbm>>
      tpu.enqueue_dma source(%dma_start3A_65 : memref<5120xi32, #tpu.memory_space<hbm>>) target(%arg6 : memref<5120xi32, #tpu.memory_space<vmem>>) target_semaphore(%arg10 : memref<!tpu.dma_semaphore, #tpu.memory_space<semaphore_mem>>)
      %dma_wait3A_66 = arith.constant 0 : i32
      %dma_wait3A_67 = tpu.memref_slice %arg2[%dma_wait3A_66] : memref<6400000xi32, #tpu.memory_space<hbm>> -> memref<5120xi32, #tpu.memory_space<hbm>>
      %dma_wait3A_68 = tpu.memref_slice %arg2[%dma_wait3A_66] : memref<6400000xi32, #tpu.memory_space<hbm>> -> memref<5120xi32, #tpu.memory_space<hbm>>
      tpu.wait_dma2 semaphore(%arg9 : memref<!tpu.dma_semaphore, #tpu.memory_space<semaphore_mem>>) src(%dma_wait3A_68 : memref<5120xi32, #tpu.memory_space<hbm>>) dst(%arg5 : memref<5120xi32, #tpu.memory_space<vmem>>)
      "tpu.region"() ({
        %run_scoped3A = tpu.sem_alloc : memref<!tpu.dma_semaphore, #tpu.memory_space<semaphore_mem>>
        %dma_start3A_84 = arith.constant 0 : i32
        %dma_start3A_85 = tpu.memref_slice %arg8[%dma_start3A_84] : memref<100096xi32, #tpu.memory_space<vmem_shared>> -> memref<100096xi32, #tpu.memory_space<vmem_shared>>
        tpu.enqueue_indirect_dma source(%arg7 : memref<5120xi32, #tpu.memory_space<vmem>>) target(%dma_start3A_85 : memref<100096xi32, #tpu.memory_space<vmem_shared>>) offsets(%arg5 : memref<5120xi32, #tpu.memory_space<vmem>>) semaphore(%run_scoped3A : memref<!tpu.dma_semaphore, #tpu.memory_space<semaphore_mem>>)
        %dma_wait3A_86 = arith.constant 0 : i32
        %dma_wait3A_87 = tpu.memref_slice %arg8[%dma_wait3A_86] : memref<100096xi32, #tpu.memory_space<vmem_shared>> -> memref<100096xi32, #tpu.memory_space<vmem_shared>>
        tpu.wait_indirect_dma semaphore(%run_scoped3A : memref<!tpu.dma_semaphore, #tpu.memory_space<semaphore_mem>>) src(%arg7 : memref<5120xi32, #tpu.memory_space<vmem>>) dst(%dma_wait3A_87 : memref<100096xi32, #tpu.memory_space<vmem_shared>>)
        tpu.yield
      }) : () -> ()
      %mul3A_69 = arith.constant 2 : i32
      %mul3A_70 = arith.muli %mul3A_69, %while3A_53 : i32
      %add3A_71 = arith.constant 2 : i32
      %add3A_72 = arith.addi %mul3A_70, %add3A_71 : i32
      %mul3A_73 = arith.constant 5120 : i32
      %mul3A_74 = arith.muli %add3A_72, %mul3A_73 : i32
      %add3A_75 = arith.addi %mul3A_25, %mul3A_74 : i32
      %min3A_76 = arith.constant 6394880 : i32
      %min3A_77 = arith.minsi %add3A_75, %min3A_76 : i32
      %multiple_of3A_78 = tpu.assume_multiple %min3A_77, 128 : i32
      %dma_start3A_79 = tpu.memref_slice %arg2[%multiple_of3A_78] : memref<6400000xi32, #tpu.memory_space<hbm>> -> memref<5120xi32, #tpu.memory_space<hbm>>
      %dma_start3A_80 = tpu.memref_slice %arg2[%multiple_of3A_78] : memref<6400000xi32, #tpu.memory_space<hbm>> -> memref<5120xi32, #tpu.memory_space<hbm>>
      tpu.enqueue_dma source(%dma_start3A_80 : memref<5120xi32, #tpu.memory_space<hbm>>) target(%arg5 : memref<5120xi32, #tpu.memory_space<vmem>>) target_semaphore(%arg9 : memref<!tpu.dma_semaphore, #tpu.memory_space<semaphore_mem>>)
      %dma_wait3A_81 = arith.constant 0 : i32
      %dma_wait3A_82 = tpu.memref_slice %arg2[%dma_wait3A_81] : memref<6400000xi32, #tpu.memory_space<hbm>> -> memref<5120xi32, #tpu.memory_space<hbm>>
      %dma_wait3A_83 = tpu.memref_slice %arg2[%dma_wait3A_81] : memref<6400000xi32, #tpu.memory_space<hbm>> -> memref<5120xi32, #tpu.memory_space<hbm>>
      tpu.wait_dma2 semaphore(%arg10 : memref<!tpu.dma_semaphore, #tpu.memory_space<semaphore_mem>>) src(%dma_wait3A_83 : memref<5120xi32, #tpu.memory_space<hbm>>) dst(%arg6 : memref<5120xi32, #tpu.memory_space<vmem>>)
      "tpu.region"() ({
        %run_scoped3A = tpu.sem_alloc : memref<!tpu.dma_semaphore, #tpu.memory_space<semaphore_mem>>
        %dma_start3A_84 = arith.constant 0 : i32
        %dma_start3A_85 = tpu.memref_slice %arg8[%dma_start3A_84] : memref<100096xi32, #tpu.memory_space<vmem_shared>> -> memref<100096xi32, #tpu.memory_space<vmem_shared>>
        tpu.enqueue_indirect_dma source(%arg7 : memref<5120xi32, #tpu.memory_space<vmem>>) target(%dma_start3A_85 : memref<100096xi32, #tpu.memory_space<vmem_shared>>) offsets(%arg6 : memref<5120xi32, #tpu.memory_space<vmem>>) semaphore(%run_scoped3A : memref<!tpu.dma_semaphore, #tpu.memory_space<semaphore_mem>>)
        %dma_wait3A_86 = arith.constant 0 : i32
        %dma_wait3A_87 = tpu.memref_slice %arg8[%dma_wait3A_86] : memref<100096xi32, #tpu.memory_space<vmem_shared>> -> memref<100096xi32, #tpu.memory_space<vmem_shared>>
        tpu.wait_indirect_dma semaphore(%run_scoped3A : memref<!tpu.dma_semaphore, #tpu.memory_space<semaphore_mem>>) src(%arg7 : memref<5120xi32, #tpu.memory_space<vmem>>) dst(%dma_wait3A_87 : memref<100096xi32, #tpu.memory_space<vmem_shared>>)
        tpu.yield
      }) : () -> ()
    }
    %dma_wait3A = arith.constant 0 : i32
    %dma_wait3A_43 = tpu.memref_slice %arg2[%dma_wait3A] : memref<6400000xi32, #tpu.memory_space<hbm>> -> memref<5120xi32, #tpu.memory_space<hbm>>
    %dma_wait3A_44 = tpu.memref_slice %arg2[%dma_wait3A] : memref<6400000xi32, #tpu.memory_space<hbm>> -> memref<5120xi32, #tpu.memory_space<hbm>>
    tpu.wait_dma2 semaphore(%arg9 : memref<!tpu.dma_semaphore, #tpu.memory_space<semaphore_mem>>) src(%dma_wait3A_44 : memref<5120xi32, #tpu.memory_space<hbm>>) dst(%arg5 : memref<5120xi32, #tpu.memory_space<vmem>>)
    %barrier3A_45 = arith.constant 0 : index
    tpu.barrier barrier_id(%barrier3A_45)
    %mul3A_46 = arith.constant 6256 : i32
    %mul3A_47 = arith.muli %arg1, %mul3A_46 : i32
    "tpu.region"() ({
      %run_scoped3A = tpu.sem_alloc : memref<!tpu.dma_semaphore, #tpu.memory_space<semaphore_mem>>
      %dma_start3A_53 = tpu.memref_slice %arg8[%mul3A_47] : memref<100096xi32, #tpu.memory_space<vmem_shared>> -> memref<6256xi32, #tpu.memory_space<vmem_shared>>
      %dma_start3A_54 = tpu.memref_slice %arg8[%mul3A_47] : memref<100096xi32, #tpu.memory_space<vmem_shared>> -> memref<6256xi32, #tpu.memory_space<vmem_shared>>
      tpu.enqueue_dma source(%dma_start3A_54 : memref<6256xi32, #tpu.memory_space<vmem_shared>>) target(%arg4 : memref<6256xi32, #tpu.memory_space<vmem>>) target_semaphore(%run_scoped3A : memref<!tpu.dma_semaphore, #tpu.memory_space<semaphore_mem>>)
      %dma_wait3A_55 = tpu.memref_slice %arg8[%mul3A_47] : memref<100096xi32, #tpu.memory_space<vmem_shared>> -> memref<6256xi32, #tpu.memory_space<vmem_shared>>
      %dma_wait3A_56 = tpu.memref_slice %arg8[%mul3A_47] : memref<100096xi32, #tpu.memory_space<vmem_shared>> -> memref<6256xi32, #tpu.memory_space<vmem_shared>>
      tpu.wait_dma2 semaphore(%run_scoped3A : memref<!tpu.dma_semaphore, #tpu.memory_space<semaphore_mem>>) src(%dma_wait3A_56 : memref<6256xi32, #tpu.memory_space<vmem_shared>>) dst(%arg4 : memref<6256xi32, #tpu.memory_space<vmem>>)
      tpu.yield
    }) : () -> ()
    %mul3A_48 = arith.constant 100096 : i32
    %mul3A_49 = arith.muli %arg0, %mul3A_48 : i32
    %mul3A_50 = arith.constant 6256 : i32
    %mul3A_51 = arith.muli %arg1, %mul3A_50 : i32
    %add3A_52 = arith.addi %mul3A_49, %mul3A_51 : i32
    "tpu.region"() ({
      %run_scoped3A = tpu.sem_alloc : memref<!tpu.dma_semaphore, #tpu.memory_space<semaphore_mem>>
      %dma_start3A_53 = tpu.memref_slice %arg3[%add3A_52] : memref<200192xi32, #tpu.memory_space<hbm>> -> memref<6256xi32, #tpu.memory_space<hbm>>
      %dma_start3A_54 = tpu.memref_slice %arg3[%add3A_52] : memref<200192xi32, #tpu.memory_space<hbm>> -> memref<6256xi32, #tpu.memory_space<hbm>>
      tpu.enqueue_dma source(%arg4 : memref<6256xi32, #tpu.memory_space<vmem>>) target(%dma_start3A_54 : memref<6256xi32, #tpu.memory_space<hbm>>) target_semaphore(%run_scoped3A : memref<!tpu.dma_semaphore, #tpu.memory_space<semaphore_mem>>)
      %dma_wait3A_55 = tpu.memref_slice %arg3[%add3A_52] : memref<200192xi32, #tpu.memory_space<hbm>> -> memref<6256xi32, #tpu.memory_space<hbm>>
      %dma_wait3A_56 = tpu.memref_slice %arg3[%add3A_52] : memref<200192xi32, #tpu.memory_space<hbm>> -> memref<6256xi32, #tpu.memory_space<hbm>>
      tpu.wait_dma2 semaphore(%run_scoped3A : memref<!tpu.dma_semaphore, #tpu.memory_space<semaphore_mem>>) src(%arg4 : memref<6256xi32, #tpu.memory_space<vmem>>) dst(%dma_wait3A_56 : memref<6256xi32, #tpu.memory_space<hbm>>)
      tpu.yield
    }) : () -> ()
    return
  }
}

module attributes {stable_mosaic.version = 14 : i64} {
  func.func @_phase2_body(%arg0: memref<782x128xf32, #tpu.memory_space<vmem>>, %arg1: memref<782x128xi32, #tpu.memory_space<vmem>>, %arg2: memref<2x782x128xi32, #tpu.memory_space<vmem>>, %arg3: memref<16xf32, #tpu.memory_space<smem>>, %arg4: memref<16xf32, #tpu.memory_space<smem>>, %arg5: memref<782x128xf32, #tpu.memory_space<vmem>>) attributes {dimension_semantics = [], scalar_prefetch = 0 : i64, scratch_operands = 0 : i64, tpu.core_type = #tpu.core_type<tc>} {
    %get3A = arith.constant 0 : index
    %get3A_0 = arith.constant 0 : index
    %get3A_1 = vector.load %arg0[%get3A, %get3A_0] : memref<782x128xf32, #tpu.memory_space<vmem>>, vector<782x128xf32>
    %get3A_2 = arith.constant 0 : index
    %get3A_3 = arith.constant 0 : index
    %get3A_4 = vector.load %arg1[%get3A_2, %get3A_3] : memref<782x128xi32, #tpu.memory_space<vmem>>, vector<782x128xi32>
    %get3A_5 = arith.constant 0 : index
    %get3A_6 = arith.constant 0 : index
    %get3A_7 = arith.constant 0 : index
    %get3A_8 = vector.load %arg2[%get3A_5, %get3A_6, %get3A_7] : memref<2x782x128xi32, #tpu.memory_space<vmem>>, vector<1x782x128xi32>
    %get3A_9 = vector.shape_cast %get3A_8 : vector<1x782x128xi32> to vector<782x128xi32>
    %gt3A = arith.constant 0 : i32
    %gt3A_10 = vector.broadcast %gt3A : i32 to vector<782x128xi32>
    %gt3A_11 = arith.cmpi sgt, %get3A_9, %gt3A_10 : vector<782x128xi32>
    %get3A_12 = arith.constant 1 : index
    %get3A_13 = arith.constant 0 : index
    %get3A_14 = arith.constant 0 : index
    %get3A_15 = vector.load %arg2[%get3A_12, %get3A_13, %get3A_14] : memref<2x782x128xi32, #tpu.memory_space<vmem>>, vector<1x782x128xi32>
    %get3A_16 = vector.shape_cast %get3A_15 : vector<1x782x128xi32> to vector<782x128xi32>
    %gt3A_17 = arith.constant 0 : i32
    %gt3A_18 = vector.broadcast %gt3A_17 : i32 to vector<782x128xi32>
    %gt3A_19 = arith.cmpi sgt, %get3A_16, %gt3A_18 : vector<782x128xi32>
    %or3A = arith.ori %gt3A_11, %gt3A_19 : vector<782x128xi1>
    %broadcast_in_dim3A = arith.constant 0.000000e+00 : f32
    %broadcast_in_dim3A_20 = vector.broadcast %broadcast_in_dim3A : f32 to vector<782x128xf32>
    %broadcast_in_dim3A_21 = arith.constant 0.000000e+00 : f32
    %broadcast_in_dim3A_22 = vector.broadcast %broadcast_in_dim3A_21 : f32 to vector<782x128xf32>
    %eq3A = arith.constant 0 : i32
    %eq3A_23 = vector.broadcast %eq3A : i32 to vector<782x128xi32>
    %eq3A_24 = arith.cmpi eq, %get3A_4, %eq3A_23 : vector<782x128xi32>
    %get3A_25 = arith.constant 0 : index
    %get3A_26 = memref.load %arg3[%get3A_25] : memref<16xf32, #tpu.memory_space<smem>>
    %jit3A = arith.constant 0.000000e+00 : f64
    %convert_element_type3A = arith.truncf %jit3A : f64 to f32
    %broadcast_in_dim3A_27 = vector.broadcast %get3A_26 : f32 to vector<782x128xf32>
    %broadcast_in_dim3A_28 = vector.broadcast %convert_element_type3A : f32 to vector<782x128xf32>
    %select_n3A = arith.select %eq3A_24, %broadcast_in_dim3A_27, %broadcast_in_dim3A_28 : vector<782x128xi1>, vector<782x128xf32>
    %add3A = arith.addf %broadcast_in_dim3A_20, %select_n3A : vector<782x128xf32>
    %get3A_29 = arith.constant 0 : index
    %get3A_30 = memref.load %arg4[%get3A_29] : memref<16xf32, #tpu.memory_space<smem>>
    %jit3A_31 = arith.constant 0.000000e+00 : f64
    %convert_element_type3A_32 = arith.truncf %jit3A_31 : f64 to f32
    %broadcast_in_dim3A_33 = vector.broadcast %get3A_30 : f32 to vector<782x128xf32>
    %broadcast_in_dim3A_34 = vector.broadcast %convert_element_type3A_32 : f32 to vector<782x128xf32>
    %select_n3A_35 = arith.select %eq3A_24, %broadcast_in_dim3A_33, %broadcast_in_dim3A_34 : vector<782x128xi1>, vector<782x128xf32>
    %add3A_36 = arith.addf %broadcast_in_dim3A_22, %select_n3A_35 : vector<782x128xf32>
    %eq3A_37 = arith.constant 1 : i32
    %eq3A_38 = vector.broadcast %eq3A_37 : i32 to vector<782x128xi32>
    %eq3A_39 = arith.cmpi eq, %get3A_4, %eq3A_38 : vector<782x128xi32>
    %get3A_40 = arith.constant 1 : index
    %get3A_41 = memref.load %arg3[%get3A_40] : memref<16xf32, #tpu.memory_space<smem>>
    %jit3A_42 = arith.constant 0.000000e+00 : f64
    %convert_element_type3A_43 = arith.truncf %jit3A_42 : f64 to f32
    %broadcast_in_dim3A_44 = vector.broadcast %get3A_41 : f32 to vector<782x128xf32>
    %broadcast_in_dim3A_45 = vector.broadcast %convert_element_type3A_43 : f32 to vector<782x128xf32>
    %select_n3A_46 = arith.select %eq3A_39, %broadcast_in_dim3A_44, %broadcast_in_dim3A_45 : vector<782x128xi1>, vector<782x128xf32>
    %add3A_47 = arith.addf %add3A, %select_n3A_46 : vector<782x128xf32>
    %get3A_48 = arith.constant 1 : index
    %get3A_49 = memref.load %arg4[%get3A_48] : memref<16xf32, #tpu.memory_space<smem>>
    %jit3A_50 = arith.constant 0.000000e+00 : f64
    %convert_element_type3A_51 = arith.truncf %jit3A_50 : f64 to f32
    %broadcast_in_dim3A_52 = vector.broadcast %get3A_49 : f32 to vector<782x128xf32>
    %broadcast_in_dim3A_53 = vector.broadcast %convert_element_type3A_51 : f32 to vector<782x128xf32>
    %select_n3A_54 = arith.select %eq3A_39, %broadcast_in_dim3A_52, %broadcast_in_dim3A_53 : vector<782x128xi1>, vector<782x128xf32>
    %add3A_55 = arith.addf %add3A_36, %select_n3A_54 : vector<782x128xf32>
    %eq3A_56 = arith.constant 2 : i32
    %eq3A_57 = vector.broadcast %eq3A_56 : i32 to vector<782x128xi32>
    %eq3A_58 = arith.cmpi eq, %get3A_4, %eq3A_57 : vector<782x128xi32>
    %get3A_59 = arith.constant 2 : index
    %get3A_60 = memref.load %arg3[%get3A_59] : memref<16xf32, #tpu.memory_space<smem>>
    %jit3A_61 = arith.constant 0.000000e+00 : f64
    %convert_element_type3A_62 = arith.truncf %jit3A_61 : f64 to f32
    %broadcast_in_dim3A_63 = vector.broadcast %get3A_60 : f32 to vector<782x128xf32>
    %broadcast_in_dim3A_64 = vector.broadcast %convert_element_type3A_62 : f32 to vector<782x128xf32>
    %select_n3A_65 = arith.select %eq3A_58, %broadcast_in_dim3A_63, %broadcast_in_dim3A_64 : vector<782x128xi1>, vector<782x128xf32>
    %add3A_66 = arith.addf %add3A_47, %select_n3A_65 : vector<782x128xf32>
    %get3A_67 = arith.constant 2 : index
    %get3A_68 = memref.load %arg4[%get3A_67] : memref<16xf32, #tpu.memory_space<smem>>
    %jit3A_69 = arith.constant 0.000000e+00 : f64
    %convert_element_type3A_70 = arith.truncf %jit3A_69 : f64 to f32
    %broadcast_in_dim3A_71 = vector.broadcast %get3A_68 : f32 to vector<782x128xf32>
    %broadcast_in_dim3A_72 = vector.broadcast %convert_element_type3A_70 : f32 to vector<782x128xf32>
    %select_n3A_73 = arith.select %eq3A_58, %broadcast_in_dim3A_71, %broadcast_in_dim3A_72 : vector<782x128xi1>, vector<782x128xf32>
    %add3A_74 = arith.addf %add3A_55, %select_n3A_73 : vector<782x128xf32>
    %eq3A_75 = arith.constant 3 : i32
    %eq3A_76 = vector.broadcast %eq3A_75 : i32 to vector<782x128xi32>
    %eq3A_77 = arith.cmpi eq, %get3A_4, %eq3A_76 : vector<782x128xi32>
    %get3A_78 = arith.constant 3 : index
    %get3A_79 = memref.load %arg3[%get3A_78] : memref<16xf32, #tpu.memory_space<smem>>
    %jit3A_80 = arith.constant 0.000000e+00 : f64
    %convert_element_type3A_81 = arith.truncf %jit3A_80 : f64 to f32
    %broadcast_in_dim3A_82 = vector.broadcast %get3A_79 : f32 to vector<782x128xf32>
    %broadcast_in_dim3A_83 = vector.broadcast %convert_element_type3A_81 : f32 to vector<782x128xf32>
    %select_n3A_84 = arith.select %eq3A_77, %broadcast_in_dim3A_82, %broadcast_in_dim3A_83 : vector<782x128xi1>, vector<782x128xf32>
    %add3A_85 = arith.addf %add3A_66, %select_n3A_84 : vector<782x128xf32>
    %get3A_86 = arith.constant 3 : index
    %get3A_87 = memref.load %arg4[%get3A_86] : memref<16xf32, #tpu.memory_space<smem>>
    %jit3A_88 = arith.constant 0.000000e+00 : f64
    %convert_element_type3A_89 = arith.truncf %jit3A_88 : f64 to f32
    %broadcast_in_dim3A_90 = vector.broadcast %get3A_87 : f32 to vector<782x128xf32>
    %broadcast_in_dim3A_91 = vector.broadcast %convert_element_type3A_89 : f32 to vector<782x128xf32>
    %select_n3A_92 = arith.select %eq3A_77, %broadcast_in_dim3A_90, %broadcast_in_dim3A_91 : vector<782x128xi1>, vector<782x128xf32>
    %add3A_93 = arith.addf %add3A_74, %select_n3A_92 : vector<782x128xf32>
    %eq3A_94 = arith.constant 4 : i32
    %eq3A_95 = vector.broadcast %eq3A_94 : i32 to vector<782x128xi32>
    %eq3A_96 = arith.cmpi eq, %get3A_4, %eq3A_95 : vector<782x128xi32>
    %get3A_97 = arith.constant 4 : index
    %get3A_98 = memref.load %arg3[%get3A_97] : memref<16xf32, #tpu.memory_space<smem>>
    %jit3A_99 = arith.constant 0.000000e+00 : f64
    %convert_element_type3A_100 = arith.truncf %jit3A_99 : f64 to f32
    %broadcast_in_dim3A_101 = vector.broadcast %get3A_98 : f32 to vector<782x128xf32>
    %broadcast_in_dim3A_102 = vector.broadcast %convert_element_type3A_100 : f32 to vector<782x128xf32>
    %select_n3A_103 = arith.select %eq3A_96, %broadcast_in_dim3A_101, %broadcast_in_dim3A_102 : vector<782x128xi1>, vector<782x128xf32>
    %add3A_104 = arith.addf %add3A_85, %select_n3A_103 : vector<782x128xf32>
    %get3A_105 = arith.constant 4 : index
    %get3A_106 = memref.load %arg4[%get3A_105] : memref<16xf32, #tpu.memory_space<smem>>
    %jit3A_107 = arith.constant 0.000000e+00 : f64
    %convert_element_type3A_108 = arith.truncf %jit3A_107 : f64 to f32
    %broadcast_in_dim3A_109 = vector.broadcast %get3A_106 : f32 to vector<782x128xf32>
    %broadcast_in_dim3A_110 = vector.broadcast %convert_element_type3A_108 : f32 to vector<782x128xf32>
    %select_n3A_111 = arith.select %eq3A_96, %broadcast_in_dim3A_109, %broadcast_in_dim3A_110 : vector<782x128xi1>, vector<782x128xf32>
    %add3A_112 = arith.addf %add3A_93, %select_n3A_111 : vector<782x128xf32>
    %eq3A_113 = arith.constant 5 : i32
    %eq3A_114 = vector.broadcast %eq3A_113 : i32 to vector<782x128xi32>
    %eq3A_115 = arith.cmpi eq, %get3A_4, %eq3A_114 : vector<782x128xi32>
    %get3A_116 = arith.constant 5 : index
    %get3A_117 = memref.load %arg3[%get3A_116] : memref<16xf32, #tpu.memory_space<smem>>
    %jit3A_118 = arith.constant 0.000000e+00 : f64
    %convert_element_type3A_119 = arith.truncf %jit3A_118 : f64 to f32
    %broadcast_in_dim3A_120 = vector.broadcast %get3A_117 : f32 to vector<782x128xf32>
    %broadcast_in_dim3A_121 = vector.broadcast %convert_element_type3A_119 : f32 to vector<782x128xf32>
    %select_n3A_122 = arith.select %eq3A_115, %broadcast_in_dim3A_120, %broadcast_in_dim3A_121 : vector<782x128xi1>, vector<782x128xf32>
    %add3A_123 = arith.addf %add3A_104, %select_n3A_122 : vector<782x128xf32>
    %get3A_124 = arith.constant 5 : index
    %get3A_125 = memref.load %arg4[%get3A_124] : memref<16xf32, #tpu.memory_space<smem>>
    %jit3A_126 = arith.constant 0.000000e+00 : f64
    %convert_element_type3A_127 = arith.truncf %jit3A_126 : f64 to f32
    %broadcast_in_dim3A_128 = vector.broadcast %get3A_125 : f32 to vector<782x128xf32>
    %broadcast_in_dim3A_129 = vector.broadcast %convert_element_type3A_127 : f32 to vector<782x128xf32>
    %select_n3A_130 = arith.select %eq3A_115, %broadcast_in_dim3A_128, %broadcast_in_dim3A_129 : vector<782x128xi1>, vector<782x128xf32>
    %add3A_131 = arith.addf %add3A_112, %select_n3A_130 : vector<782x128xf32>
    %eq3A_132 = arith.constant 6 : i32
    %eq3A_133 = vector.broadcast %eq3A_132 : i32 to vector<782x128xi32>
    %eq3A_134 = arith.cmpi eq, %get3A_4, %eq3A_133 : vector<782x128xi32>
    %get3A_135 = arith.constant 6 : index
    %get3A_136 = memref.load %arg3[%get3A_135] : memref<16xf32, #tpu.memory_space<smem>>
    %jit3A_137 = arith.constant 0.000000e+00 : f64
    %convert_element_type3A_138 = arith.truncf %jit3A_137 : f64 to f32
    %broadcast_in_dim3A_139 = vector.broadcast %get3A_136 : f32 to vector<782x128xf32>
    %broadcast_in_dim3A_140 = vector.broadcast %convert_element_type3A_138 : f32 to vector<782x128xf32>
    %select_n3A_141 = arith.select %eq3A_134, %broadcast_in_dim3A_139, %broadcast_in_dim3A_140 : vector<782x128xi1>, vector<782x128xf32>
    %add3A_142 = arith.addf %add3A_123, %select_n3A_141 : vector<782x128xf32>
    %get3A_143 = arith.constant 6 : index
    %get3A_144 = memref.load %arg4[%get3A_143] : memref<16xf32, #tpu.memory_space<smem>>
    %jit3A_145 = arith.constant 0.000000e+00 : f64
    %convert_element_type3A_146 = arith.truncf %jit3A_145 : f64 to f32
    %broadcast_in_dim3A_147 = vector.broadcast %get3A_144 : f32 to vector<782x128xf32>
    %broadcast_in_dim3A_148 = vector.broadcast %convert_element_type3A_146 : f32 to vector<782x128xf32>
    %select_n3A_149 = arith.select %eq3A_134, %broadcast_in_dim3A_147, %broadcast_in_dim3A_148 : vector<782x128xi1>, vector<782x128xf32>
    %add3A_150 = arith.addf %add3A_131, %select_n3A_149 : vector<782x128xf32>
    %eq3A_151 = arith.constant 7 : i32
    %eq3A_152 = vector.broadcast %eq3A_151 : i32 to vector<782x128xi32>
    %eq3A_153 = arith.cmpi eq, %get3A_4, %eq3A_152 : vector<782x128xi32>
    %get3A_154 = arith.constant 7 : index
    %get3A_155 = memref.load %arg3[%get3A_154] : memref<16xf32, #tpu.memory_space<smem>>
    %jit3A_156 = arith.constant 0.000000e+00 : f64
    %convert_element_type3A_157 = arith.truncf %jit3A_156 : f64 to f32
    %broadcast_in_dim3A_158 = vector.broadcast %get3A_155 : f32 to vector<782x128xf32>
    %broadcast_in_dim3A_159 = vector.broadcast %convert_element_type3A_157 : f32 to vector<782x128xf32>
    %select_n3A_160 = arith.select %eq3A_153, %broadcast_in_dim3A_158, %broadcast_in_dim3A_159 : vector<782x128xi1>, vector<782x128xf32>
    %add3A_161 = arith.addf %add3A_142, %select_n3A_160 : vector<782x128xf32>
    %get3A_162 = arith.constant 7 : index
    %get3A_163 = memref.load %arg4[%get3A_162] : memref<16xf32, #tpu.memory_space<smem>>
    %jit3A_164 = arith.constant 0.000000e+00 : f64
    %convert_element_type3A_165 = arith.truncf %jit3A_164 : f64 to f32
    %broadcast_in_dim3A_166 = vector.broadcast %get3A_163 : f32 to vector<782x128xf32>
    %broadcast_in_dim3A_167 = vector.broadcast %convert_element_type3A_165 : f32 to vector<782x128xf32>
    %select_n3A_168 = arith.select %eq3A_153, %broadcast_in_dim3A_166, %broadcast_in_dim3A_167 : vector<782x128xi1>, vector<782x128xf32>
    %add3A_169 = arith.addf %add3A_150, %select_n3A_168 : vector<782x128xf32>
    %eq3A_170 = arith.constant 8 : i32
    %eq3A_171 = vector.broadcast %eq3A_170 : i32 to vector<782x128xi32>
    %eq3A_172 = arith.cmpi eq, %get3A_4, %eq3A_171 : vector<782x128xi32>
    %get3A_173 = arith.constant 8 : index
    %get3A_174 = memref.load %arg3[%get3A_173] : memref<16xf32, #tpu.memory_space<smem>>
    %jit3A_175 = arith.constant 0.000000e+00 : f64
    %convert_element_type3A_176 = arith.truncf %jit3A_175 : f64 to f32
    %broadcast_in_dim3A_177 = vector.broadcast %get3A_174 : f32 to vector<782x128xf32>
    %broadcast_in_dim3A_178 = vector.broadcast %convert_element_type3A_176 : f32 to vector<782x128xf32>
    %select_n3A_179 = arith.select %eq3A_172, %broadcast_in_dim3A_177, %broadcast_in_dim3A_178 : vector<782x128xi1>, vector<782x128xf32>
    %add3A_180 = arith.addf %add3A_161, %select_n3A_179 : vector<782x128xf32>
    %get3A_181 = arith.constant 8 : index
    %get3A_182 = memref.load %arg4[%get3A_181] : memref<16xf32, #tpu.memory_space<smem>>
    %jit3A_183 = arith.constant 0.000000e+00 : f64
    %convert_element_type3A_184 = arith.truncf %jit3A_183 : f64 to f32
    %broadcast_in_dim3A_185 = vector.broadcast %get3A_182 : f32 to vector<782x128xf32>
    %broadcast_in_dim3A_186 = vector.broadcast %convert_element_type3A_184 : f32 to vector<782x128xf32>
    %select_n3A_187 = arith.select %eq3A_172, %broadcast_in_dim3A_185, %broadcast_in_dim3A_186 : vector<782x128xi1>, vector<782x128xf32>
    %add3A_188 = arith.addf %add3A_169, %select_n3A_187 : vector<782x128xf32>
    %eq3A_189 = arith.constant 9 : i32
    %eq3A_190 = vector.broadcast %eq3A_189 : i32 to vector<782x128xi32>
    %eq3A_191 = arith.cmpi eq, %get3A_4, %eq3A_190 : vector<782x128xi32>
    %get3A_192 = arith.constant 9 : index
    %get3A_193 = memref.load %arg3[%get3A_192] : memref<16xf32, #tpu.memory_space<smem>>
    %jit3A_194 = arith.constant 0.000000e+00 : f64
    %convert_element_type3A_195 = arith.truncf %jit3A_194 : f64 to f32
    %broadcast_in_dim3A_196 = vector.broadcast %get3A_193 : f32 to vector<782x128xf32>
    %broadcast_in_dim3A_197 = vector.broadcast %convert_element_type3A_195 : f32 to vector<782x128xf32>
    %select_n3A_198 = arith.select %eq3A_191, %broadcast_in_dim3A_196, %broadcast_in_dim3A_197 : vector<782x128xi1>, vector<782x128xf32>
    %add3A_199 = arith.addf %add3A_180, %select_n3A_198 : vector<782x128xf32>
    %get3A_200 = arith.constant 9 : index
    %get3A_201 = memref.load %arg4[%get3A_200] : memref<16xf32, #tpu.memory_space<smem>>
    %jit3A_202 = arith.constant 0.000000e+00 : f64
    %convert_element_type3A_203 = arith.truncf %jit3A_202 : f64 to f32
    %broadcast_in_dim3A_204 = vector.broadcast %get3A_201 : f32 to vector<782x128xf32>
    %broadcast_in_dim3A_205 = vector.broadcast %convert_element_type3A_203 : f32 to vector<782x128xf32>
    %select_n3A_206 = arith.select %eq3A_191, %broadcast_in_dim3A_204, %broadcast_in_dim3A_205 : vector<782x128xi1>, vector<782x128xf32>
    %add3A_207 = arith.addf %add3A_188, %select_n3A_206 : vector<782x128xf32>
    %eq3A_208 = arith.constant 10 : i32
    %eq3A_209 = vector.broadcast %eq3A_208 : i32 to vector<782x128xi32>
    %eq3A_210 = arith.cmpi eq, %get3A_4, %eq3A_209 : vector<782x128xi32>
    %get3A_211 = arith.constant 10 : index
    %get3A_212 = memref.load %arg3[%get3A_211] : memref<16xf32, #tpu.memory_space<smem>>
    %jit3A_213 = arith.constant 0.000000e+00 : f64
    %convert_element_type3A_214 = arith.truncf %jit3A_213 : f64 to f32
    %broadcast_in_dim3A_215 = vector.broadcast %get3A_212 : f32 to vector<782x128xf32>
    %broadcast_in_dim3A_216 = vector.broadcast %convert_element_type3A_214 : f32 to vector<782x128xf32>
    %select_n3A_217 = arith.select %eq3A_210, %broadcast_in_dim3A_215, %broadcast_in_dim3A_216 : vector<782x128xi1>, vector<782x128xf32>
    %add3A_218 = arith.addf %add3A_199, %select_n3A_217 : vector<782x128xf32>
    %get3A_219 = arith.constant 10 : index
    %get3A_220 = memref.load %arg4[%get3A_219] : memref<16xf32, #tpu.memory_space<smem>>
    %jit3A_221 = arith.constant 0.000000e+00 : f64
    %convert_element_type3A_222 = arith.truncf %jit3A_221 : f64 to f32
    %broadcast_in_dim3A_223 = vector.broadcast %get3A_220 : f32 to vector<782x128xf32>
    %broadcast_in_dim3A_224 = vector.broadcast %convert_element_type3A_222 : f32 to vector<782x128xf32>
    %select_n3A_225 = arith.select %eq3A_210, %broadcast_in_dim3A_223, %broadcast_in_dim3A_224 : vector<782x128xi1>, vector<782x128xf32>
    %add3A_226 = arith.addf %add3A_207, %select_n3A_225 : vector<782x128xf32>
    %eq3A_227 = arith.constant 11 : i32
    %eq3A_228 = vector.broadcast %eq3A_227 : i32 to vector<782x128xi32>
    %eq3A_229 = arith.cmpi eq, %get3A_4, %eq3A_228 : vector<782x128xi32>
    %get3A_230 = arith.constant 11 : index
    %get3A_231 = memref.load %arg3[%get3A_230] : memref<16xf32, #tpu.memory_space<smem>>
    %jit3A_232 = arith.constant 0.000000e+00 : f64
    %convert_element_type3A_233 = arith.truncf %jit3A_232 : f64 to f32
    %broadcast_in_dim3A_234 = vector.broadcast %get3A_231 : f32 to vector<782x128xf32>
    %broadcast_in_dim3A_235 = vector.broadcast %convert_element_type3A_233 : f32 to vector<782x128xf32>
    %select_n3A_236 = arith.select %eq3A_229, %broadcast_in_dim3A_234, %broadcast_in_dim3A_235 : vector<782x128xi1>, vector<782x128xf32>
    %add3A_237 = arith.addf %add3A_218, %select_n3A_236 : vector<782x128xf32>
    %get3A_238 = arith.constant 11 : index
    %get3A_239 = memref.load %arg4[%get3A_238] : memref<16xf32, #tpu.memory_space<smem>>
    %jit3A_240 = arith.constant 0.000000e+00 : f64
    %convert_element_type3A_241 = arith.truncf %jit3A_240 : f64 to f32
    %broadcast_in_dim3A_242 = vector.broadcast %get3A_239 : f32 to vector<782x128xf32>
    %broadcast_in_dim3A_243 = vector.broadcast %convert_element_type3A_241 : f32 to vector<782x128xf32>
    %select_n3A_244 = arith.select %eq3A_229, %broadcast_in_dim3A_242, %broadcast_in_dim3A_243 : vector<782x128xi1>, vector<782x128xf32>
    %add3A_245 = arith.addf %add3A_226, %select_n3A_244 : vector<782x128xf32>
    %eq3A_246 = arith.constant 12 : i32
    %eq3A_247 = vector.broadcast %eq3A_246 : i32 to vector<782x128xi32>
    %eq3A_248 = arith.cmpi eq, %get3A_4, %eq3A_247 : vector<782x128xi32>
    %get3A_249 = arith.constant 12 : index
    %get3A_250 = memref.load %arg3[%get3A_249] : memref<16xf32, #tpu.memory_space<smem>>
    %jit3A_251 = arith.constant 0.000000e+00 : f64
    %convert_element_type3A_252 = arith.truncf %jit3A_251 : f64 to f32
    %broadcast_in_dim3A_253 = vector.broadcast %get3A_250 : f32 to vector<782x128xf32>
    %broadcast_in_dim3A_254 = vector.broadcast %convert_element_type3A_252 : f32 to vector<782x128xf32>
    %select_n3A_255 = arith.select %eq3A_248, %broadcast_in_dim3A_253, %broadcast_in_dim3A_254 : vector<782x128xi1>, vector<782x128xf32>
    %add3A_256 = arith.addf %add3A_237, %select_n3A_255 : vector<782x128xf32>
    %get3A_257 = arith.constant 12 : index
    %get3A_258 = memref.load %arg4[%get3A_257] : memref<16xf32, #tpu.memory_space<smem>>
    %jit3A_259 = arith.constant 0.000000e+00 : f64
    %convert_element_type3A_260 = arith.truncf %jit3A_259 : f64 to f32
    %broadcast_in_dim3A_261 = vector.broadcast %get3A_258 : f32 to vector<782x128xf32>
    %broadcast_in_dim3A_262 = vector.broadcast %convert_element_type3A_260 : f32 to vector<782x128xf32>
    %select_n3A_263 = arith.select %eq3A_248, %broadcast_in_dim3A_261, %broadcast_in_dim3A_262 : vector<782x128xi1>, vector<782x128xf32>
    %add3A_264 = arith.addf %add3A_245, %select_n3A_263 : vector<782x128xf32>
    %eq3A_265 = arith.constant 13 : i32
    %eq3A_266 = vector.broadcast %eq3A_265 : i32 to vector<782x128xi32>
    %eq3A_267 = arith.cmpi eq, %get3A_4, %eq3A_266 : vector<782x128xi32>
    %get3A_268 = arith.constant 13 : index
    %get3A_269 = memref.load %arg3[%get3A_268] : memref<16xf32, #tpu.memory_space<smem>>
    %jit3A_270 = arith.constant 0.000000e+00 : f64
    %convert_element_type3A_271 = arith.truncf %jit3A_270 : f64 to f32
    %broadcast_in_dim3A_272 = vector.broadcast %get3A_269 : f32 to vector<782x128xf32>
    %broadcast_in_dim3A_273 = vector.broadcast %convert_element_type3A_271 : f32 to vector<782x128xf32>
    %select_n3A_274 = arith.select %eq3A_267, %broadcast_in_dim3A_272, %broadcast_in_dim3A_273 : vector<782x128xi1>, vector<782x128xf32>
    %add3A_275 = arith.addf %add3A_256, %select_n3A_274 : vector<782x128xf32>
    %get3A_276 = arith.constant 13 : index
    %get3A_277 = memref.load %arg4[%get3A_276] : memref<16xf32, #tpu.memory_space<smem>>
    %jit3A_278 = arith.constant 0.000000e+00 : f64
    %convert_element_type3A_279 = arith.truncf %jit3A_278 : f64 to f32
    %broadcast_in_dim3A_280 = vector.broadcast %get3A_277 : f32 to vector<782x128xf32>
    %broadcast_in_dim3A_281 = vector.broadcast %convert_element_type3A_279 : f32 to vector<782x128xf32>
    %select_n3A_282 = arith.select %eq3A_267, %broadcast_in_dim3A_280, %broadcast_in_dim3A_281 : vector<782x128xi1>, vector<782x128xf32>
    %add3A_283 = arith.addf %add3A_264, %select_n3A_282 : vector<782x128xf32>
    %eq3A_284 = arith.constant 14 : i32
    %eq3A_285 = vector.broadcast %eq3A_284 : i32 to vector<782x128xi32>
    %eq3A_286 = arith.cmpi eq, %get3A_4, %eq3A_285 : vector<782x128xi32>
    %get3A_287 = arith.constant 14 : index
    %get3A_288 = memref.load %arg3[%get3A_287] : memref<16xf32, #tpu.memory_space<smem>>
    %jit3A_289 = arith.constant 0.000000e+00 : f64
    %convert_element_type3A_290 = arith.truncf %jit3A_289 : f64 to f32
    %broadcast_in_dim3A_291 = vector.broadcast %get3A_288 : f32 to vector<782x128xf32>
    %broadcast_in_dim3A_292 = vector.broadcast %convert_element_type3A_290 : f32 to vector<782x128xf32>
    %select_n3A_293 = arith.select %eq3A_286, %broadcast_in_dim3A_291, %broadcast_in_dim3A_292 : vector<782x128xi1>, vector<782x128xf32>
    %add3A_294 = arith.addf %add3A_275, %select_n3A_293 : vector<782x128xf32>
    %get3A_295 = arith.constant 14 : index
    %get3A_296 = memref.load %arg4[%get3A_295] : memref<16xf32, #tpu.memory_space<smem>>
    %jit3A_297 = arith.constant 0.000000e+00 : f64
    %convert_element_type3A_298 = arith.truncf %jit3A_297 : f64 to f32
    %broadcast_in_dim3A_299 = vector.broadcast %get3A_296 : f32 to vector<782x128xf32>
    %broadcast_in_dim3A_300 = vector.broadcast %convert_element_type3A_298 : f32 to vector<782x128xf32>
    %select_n3A_301 = arith.select %eq3A_286, %broadcast_in_dim3A_299, %broadcast_in_dim3A_300 : vector<782x128xi1>, vector<782x128xf32>
    %add3A_302 = arith.addf %add3A_283, %select_n3A_301 : vector<782x128xf32>
    %eq3A_303 = arith.constant 15 : i32
    %eq3A_304 = vector.broadcast %eq3A_303 : i32 to vector<782x128xi32>
    %eq3A_305 = arith.cmpi eq, %get3A_4, %eq3A_304 : vector<782x128xi32>
    %get3A_306 = arith.constant 15 : index
    %get3A_307 = memref.load %arg3[%get3A_306] : memref<16xf32, #tpu.memory_space<smem>>
    %jit3A_308 = arith.constant 0.000000e+00 : f64
    %convert_element_type3A_309 = arith.truncf %jit3A_308 : f64 to f32
    %broadcast_in_dim3A_310 = vector.broadcast %get3A_307 : f32 to vector<782x128xf32>
    %broadcast_in_dim3A_311 = vector.broadcast %convert_element_type3A_309 : f32 to vector<782x128xf32>
    %select_n3A_312 = arith.select %eq3A_305, %broadcast_in_dim3A_310, %broadcast_in_dim3A_311 : vector<782x128xi1>, vector<782x128xf32>
    %add3A_313 = arith.addf %add3A_294, %select_n3A_312 : vector<782x128xf32>
    %get3A_314 = arith.constant 15 : index
    %get3A_315 = memref.load %arg4[%get3A_314] : memref<16xf32, #tpu.memory_space<smem>>
    %jit3A_316 = arith.constant 0.000000e+00 : f64
    %convert_element_type3A_317 = arith.truncf %jit3A_316 : f64 to f32
    %broadcast_in_dim3A_318 = vector.broadcast %get3A_315 : f32 to vector<782x128xf32>
    %broadcast_in_dim3A_319 = vector.broadcast %convert_element_type3A_317 : f32 to vector<782x128xf32>
    %select_n3A_320 = arith.select %eq3A_305, %broadcast_in_dim3A_318, %broadcast_in_dim3A_319 : vector<782x128xi1>, vector<782x128xf32>
    %add3A_321 = arith.addf %add3A_302, %select_n3A_320 : vector<782x128xf32>
    %mul3A = arith.mulf %get3A_1, %add3A_313 : vector<782x128xf32>
    %add3A_322 = arith.addf %mul3A, %add3A_321 : vector<782x128xf32>
    %select_n3A_323 = arith.select %or3A, %add3A_322, %get3A_1 : vector<782x128xi1>, vector<782x128xf32>
    %swap3A = arith.constant 0 : index
    %swap3A_324 = arith.constant 0 : index
    %swap3A_325 = vector.load %arg5[%swap3A, %swap3A_324] : memref<782x128xf32, #tpu.memory_space<vmem>>, vector<782x128xf32>
    tpu.vector_store %arg5[%swap3A, %swap3A_324], %select_n3A_323 {strides = array<i32>} : memref<782x128xf32, #tpu.memory_space<vmem>>, vector<782x128xf32>,
    return
  }
}

</mosaic_0001>

<sc_bundles>
// kernel: kernel.4.cloned.1.call-start
scs
__scs_entry_jumppad:
0x0: {  	(pc) =	sbr.rel $0x88, $3  }
0x1: {  	(tag) =	ssettag $0x0;
	lr =	simm.s32 $0x1  }
0x2: {  	[smem:$0x3F9C] =	sst lr;
	_ =	strace $0xD0000000  }
0x3: {  	_ = 	snop  }
0x4: {  	_ = 	snop  }
0x5: {  	_ = 	snop  }
0x6: {  	_ = 	snop  }
0x7: {  	_ = 	snop  }
__scs_overlays_trampoline_lowered:
0x8: {  	[smem:$0x3FAB] =	sst s0  }
0x9: {  	[smem:$0x3FAC] =	sst s1  }
0xa: {  	[smem:$0x3FAD] =	sst s2  }
0xb: {  	[smem:$0x3FAE] =	sst s3  }
0xc: {  	[smem:$0x3FAF] =	sst s4  }
0xd: {  	[smem:$0x3FB0] =	sst s5  }
0xe: {  	[smem:$0x3FB1] =	sst s6  }
0xf: {  	[smem:$0x3FB2] =	sst s7  }
0x10: {  	[smem:$0x3FB3] =	sst s8  }
0x11: {  	[smem:$0x3FB4] =	sst s9;
	s0 =	simm.s32 @!p0 $0x0  }
0x12: {  	s1 =	sld [smem:$0x3F9A];
	s0 =	simm.s32 @p0 $0x1  }
0x13: {  	[smem:$0x3FB5] =	sst s0;
	s0 =	simm.s32 @!p1 $0x0  }
0x14: {  	s2 =	sld [smem:$0x3F99];
	s0 =	simm.s32 @p1 $0x1  }
0x15: {  	[smem:$0x3FB6] =	sst s0;
	s0 =	simm.s32 @!p2 $0x0  }
0x16: {  	s3 =	sld [smem:$0x3FDB];
	s0 =	simm.s32 @p2 $0x1  }
0x17: {  	s4 =	simm.s32 $0x1BF5;
	[smem:$0x3FB8] =	sst s0  }
0x18: {  	s0 =	sld [smem:$0x3F9B];
	_ =	swait.ge [sflag:s4], $0x0  }
0x19: {  	s7 =	sld [smem:$0x3F9C]  }
0x1a: {  	s8 =	sadd.s32 $0xFFFFE003, lr  }
0x1b: {  	s9 =	sadd.s32 $0xFFFFFEF7, lr;
	s5 =	simm.s32 $0xFFFFFFFF;
	p2 =	slt.u32 s8, $0xFFFFF086  }
0x1c: {  	p1 =	slt.u32 s9, $0xF7A;
	s5 =	simm.s32 @!p2 $0x0  }
0x1d: {  	s5 =	simm.s32 @p1 $0x1;
	p0 =	seq.s32 s7, s2  }
0x1e: {  	s7 =	smul.u32 @!p0 $0xF7A, s2;
	p2 =	seq.s32 @!p0 s5, $0x0  }
0x1f: {  	s9 =	smul.u32 $0xF7A, s1;
	s8 =	simm.s32 @!p0 $0x1BF5;
	p2 =	por !p2, p0  }
0x20: {  	[sflag:s8] =	ssyncset.s32 @!p0 $0xFFFFF086;
	s6 =	sadd.s32 @!p0 s3, s7;
	s7 =	simm.s32 @!p0 $0x108  }
0x21: {  	s3 =	sadd.s32 s3, s9;
	s6 =	sadd.s32 @!p0 $0x88, s6;
	s7 =	simm.s32 @p2 $0x1082  }
0x22: {  	[simem:s7], [sflag:s8] =	dma.local @!p0 [hbm:s6], $0xF7A  }
0x23: {  	s9 =	sor.u32 $0xD0000000, s2;
	s6 =	simm.s32 $0x108;
	_ =	swait.ge @!p0 [sflag:s8], $0x0  }
0x24: {  	s3 =	sadd.s32 $0x88, s3;
	s6 =	simm.s32 @!p1 $0x1082;
	[sflag:s4] =	ssyncset.s32 $0xFFFFF086  }
0x25: {  	[simem:s6], [sflag:s4] =	dma.local [hbm:s3], $0xF7A  }
0x26: {  	[smem:$0x3F9C] =	sst s1;
	(tag) =	ssettag s2;
	_ =	strace s9  }
0x27: {  	s1 =	sld [smem:$0x3FAC]  }
0x28: {  	s2 =	sld [smem:$0x3FAD]  }
0x29: {  	s4 =	sld [smem:$0x3FAF]  }
0x2a: {  	p0 =	seq.s32 s5, $0x0;
	s5 =	sld [smem:$0x3FB0]  }
0x2b: {  	s6 =	sld [smem:$0x3FB1]  }
0x2c: {  	s7 =	sld [smem:$0x3FB2]  }
0x2d: {  	s3 =	simm.s32 $0x108;
	s8 =	sld [smem:$0x3FB3]  }
0x2e: {  	s3 =	simm.s32 @!p0 $0x1082;
	s9 =	sld [smem:$0x3FB4]  }
0x2f: {  	lr =	sadd.s32 s0, s3;
	s0 =	sld [smem:$0x3FAB]  }
0x30: {  	s3 =	sld [smem:$0x3FAE]  }
0x31: {  	[smem:$0x3FB7] =	sst s10  }
0x32: {  	s10 =	sld [smem:$0x3FB5];
	_ =	sdelay $0x3  }
0x33: {  	p0 =	seq.s32 s10, $0x1;
	s10 =	sld [smem:$0x3FB7];
	_ =	sdelay $0x3  }
0x34: {  	[smem:$0x3FB7] =	sst s10  }
0x35: {  	s10 =	sld [smem:$0x3FB6];
	_ =	sdelay $0x3  }
0x36: {  	p1 =	seq.s32 s10, $0x1;
	s10 =	sld [smem:$0x3FB7];
	_ =	sdelay $0x3  }
0x37: {  	[smem:$0x3FB7] =	sst s10  }
0x38: {  	s10 =	sld [smem:$0x3FB8]  }
0x39: {  	_ = 	snop;
	(pc) =	sbr.ind lr, $3  }
0x3a: {  	_ = 	snop  }
0x3b: {  	_ = 	snop  }
0x3c: {  	p2 =	seq.s32 s10, $0x1;
	s10 =	sld [smem:$0x3FB7]  }
0x3d: {  	_ =	shalt  }
0x3e: {  	_ =	shalt  }
0x3f: {  	_ =	shalt  }
0x40: {  	_ =	shalt  }
0x41: {  	_ =	shalt  }
0x42: {  	_ =	shalt  }
0x43: {  	_ =	shalt  }
0x44: {  	_ =	shalt  }
0x45: {  	_ =	shalt  }
0x46: {  	_ =	shalt  }
0x47: {  	_ =	shalt  }
0x48: {  	_ =	shalt  }
0x49: {  	_ =	shalt  }
0x4a: {  	_ =	shalt  }
0x4b: {  	_ =	shalt  }
0x4c: {  	_ =	shalt  }
0x4d: {  	_ =	shalt  }
0x4e: {  	_ =	shalt  }
0x4f: {  	_ =	shalt  }
0x50: {  	_ =	shalt  }
0x51: {  	_ =	shalt  }
0x52: {  	_ =	shalt  }
0x53: {  	_ =	shalt  }
0x54: {  	_ =	shalt  }
0x55: {  	_ =	shalt  }
0x56: {  	_ =	shalt  }
0x57: {  	_ =	shalt  }
0x58: {  	_ =	shalt  }
0x59: {  	_ =	shalt  }
0x5a: {  	_ =	shalt  }
0x5b: {  	_ =	shalt  }
0x5c: {  	_ =	shalt  }
0x5d: {  	_ =	shalt  }
0x5e: {  	_ =	shalt  }
0x5f: {  	_ =	shalt  }
0x60: {  	_ =	shalt  }
0x61: {  	_ =	shalt  }
0x62: {  	_ =	shalt  }
0x63: {  	_ =	shalt  }
0x64: {  	_ =	shalt  }
0x65: {  	_ =	shalt  }
0x66: {  	_ =	shalt  }
0x67: {  	_ =	shalt  }
0x68: {  	_ =	shalt  }
0x69: {  	_ =	shalt  }
0x6a: {  	_ =	shalt  }
0x6b: {  	_ =	shalt  }
0x6c: {  	_ =	shalt  }
0x6d: {  	_ =	shalt  }
0x6e: {  	_ =	shalt  }
0x6f: {  	_ =	shalt  }
0x70: {  	_ =	shalt  }
0x71: {  	_ =	shalt  }
0x72: {  	_ =	shalt  }
0x73: {  	_ =	shalt  }
0x74: {  	_ =	shalt  }
0x75: {  	_ =	shalt  }
0x76: {  	_ =	shalt  }
0x77: {  	_ =	shalt  }
0x78: {  	_ =	shalt  }
0x79: {  	_ =	shalt  }
0x7a: {  	_ =	shalt  }
0x7b: {  	_ =	shalt  }
0x7c: {  	_ =	shalt  }
0x7d: {  	_ =	shalt  }
0x7e: {  	_ =	shalt  }
0x7f: {  	_ =	shalt  }
0x80: {  	_ =	shalt  }
0x81: {  	_ =	shalt  }
0x82: {  	_ =	shalt  }
0x83: {  	_ =	shalt  }
0x84: {  	_ =	shalt  }
0x85: {  	_ =	shalt  }
0x86: {  	_ =	shalt  }
0x87: {  	_ =	shalt  }
.Lfunc_end0:
.L_simem_size_0:
called_computation_lowered:
.L_overlay_start_0:
0x88: {  	s2 =	sld [smem:$0x3FD9]  }
0x89: {  	s3 =	sld [smem:$0x3FFE];
	_ =	sdelay $0x1  }
0x8a: {  	s1 =	srdreg.scid  }
0x8b: {  	s0 =	sand.u32 $0x1, s1  }
0x8c: {  	s16 =	sshll.u32 s0, $0xA;
	s2 =	sadd.s32 s3, s2  }
0x8d: {  	s2 =	sadd.s32 s2, s16  }
0x8e: {  	[smem:$0x3FC3] =	sst s2  }
0x8f: {  	_ = 	snop  }
0x90: {  	(tm) =	ssettm $0x1  }
0x91: {  	s17 =	sld [smem:$0x3FFB];
	_ =	sdelay $0x3  }
0x92: {  	_ =	strace s17  }
0x93: {  	s2 =	sld [smem:$0x3FFC];
	_ =	sdelay $0x3  }
0x94: {  	_ =	strace s2  }
0x95: {  	s2 =	sld [smem:$0x3FFD];
	_ =	sdelay $0x3  }
0x96: {  	_ =	strace s2  }
0x97: {  	_ =	strace $0x8FFFFFFF  }
0x98: {  	s18 =	sld [smem:$0x3FDB];
	_ =	sdelay $0x1  }
0x99: {  	s19 =	simm.s32 $_scs_section_size  }
0x9a: {  	s4 =	simm.s32 $_size__tile_overlayer_lowered;
	s5 =	simm.s32 $_tile_overlayer_lowered  }
0x9b: {  	s22 =	simm.s32 $0x1BFF;
	s21 =	sshll.u32 s5, $0x1;
	s2 =	sadd.s32 s19, s18  }
0x9c: {  	s6 =	simm.s32 $0x0;
	s20 =	sshll.u32 s4, $0x1;
	s4 =	sadd.s32 s21, s2  }
0x9d: {  	[timem:s6], [sflag:s22] =	dma.local [hbm:s4], s20  }
0x9e: {  	_ =	swait.ge [sflag:s22], s20  }
0x9f: {  	s3 =	ssub.s32 $0x0, s20;
	[sflag:s22] =	ssyncset.done $0x0  }
0xa0: {  	[sflag:s22] =	ssyncadd.s32 s3;
	_ =	sdelay $0x1  }
0xa1: {  	s23 =	simm.s32 $0x1B8B  }
0xa2: {  	_ =	swait.ge [sflag:s23], $0x1  }
0xa3: {  	[sflag:s23] =	ssyncset.done $0x0  }
0xa4: {  	s25 =	simm.s32 $0x1B8E;
	s24 =	sld [smem:$0x3FFE];
	[sflag:s23] =	ssyncadd.s32 $0xFFFFFFFF  }
0xa5: {  	s26 =	simm.s32 $execute0_lowered;
	[smem:$0x3FD2] =	sst s25  }
0xa6: {  	s4 =	sshll.u32 s26, $0x1;
	_ =	strace $0x80000046;
	[dreg:$0x1] =	wrdreg $0xFFFFFFFF  }
0xa7: {  	s28 =	simm.s32 $_size_execute0_lowered;
	s2 =	sadd.s32 s2, s4;
	[dreg:$0x0] =	wrdreg $0x0  }
0xa8: {  	s4 =	sshll.u32 s28, $0x1;
	[dreg:$0x2] =	wrdreg s2  }
0xa9: {  	[dreg:$0x3] =	wrdreg s4  }
0xaa: {  	[dreg:$0x4] =	wrdreg $0xC0  }
0xab: {  	_ =	task [dreg:s6], $0x5FFFF  }
0xac: {  	[dreg:$0x1] =	wrdreg $0xFFFFFFFF  }
0xad: {  	[dreg:$0x0] =	wrdreg $0x60  }
0xae: {  	[dreg:$0x2] =	wrdreg s24  }
0xaf: {  	[dreg:$0x3] =	wrdreg $0x54800  }
0xb0: {  	[dreg:$0x4] =	wrdreg $0x9  }
0xb1: {  	_ =	task.clear_ibuf [dreg:s6], $0x5FFFF;
	_ =	strace $0x90000046  }
0xb2: {  	s29 =	simm.s32 $0x9;
	_ =	strace $0x80000048  }
0xb3: {  	_ =	swait.ge [sflag:s29], $0x1  }
0xb4: {  	[sflag:s29] =	ssyncadd.s32 $0xFFFFFFFF  }
0xb5: {  	_ =	strace $0x90000048  }
0xb6: {  	_ =	sfence  }
0xb7: {  	s30 =	sld [smem:$0x0];
	_ =	sdelay $0x2  }
0xb8: {  	s31 =	sshll.u32 s1, $0xD;
	s1 =	sshrl.u32 s1, $0x2  }
0xb9: {  	s3 =	sand.u32 $0x4000, s31;
	s1 =	sadd.s32 s1, s30  }
0xba: {  	s0 =	sor.u32 s3, s0;
	s1 =	sshll.u32 s1, $0x11  }
0xbb: {  	s0 =	sor.u32 s1, s0  }
0xbc: {  	s0 =	sadd.s32 $0x8F2B, s0  }
0xbd: {  	[sflag:s0] =	ssyncadd.remote.s32 $0x1  }
0xbe: {  	_ =	sfence.sel $0xFFFF  }
0xbf: {  	[dreg:$0x0] =	wrdreg $0xFFFFFFFF;
	(pc) =	sbr.abs _section_cstart, $3  }
0xc0: {  	[dreg:$0x1] =	wrdreg $0xFFFFFFFF  }
0xc1: {  	_ =	task.clear_ibuf [dreg:s6], $0x2FFFF;
	_ =	strace $0x9FFFFFFF  }
0xc2: {  	(tm) =	ssettm $0x7FFFFFFF  }
0xc3: {  	_ =	shalt  }
tec
execute0_lowered:
.L_overlay_start_1:
0x0: {  	(tag) =	ssettag $0x1  }
0x1: {  	s7 =	rddreg [dreg:$0x0]  }
0x2: {  	s1 =	rddreg [dreg:$0x1]  }
0x3: {  	s0 =	rddreg [dreg:$0x2]  }
0x4: {  	s3 =	simm.s32 $0x0;
	s4 =	srdreg.scid;
	s2 =	stileid.u32  }
0x5: {  	s13 =	simm.s32 $0x1;
	s14 =	simm.s32 $0x1400;
	s15 =	simm.s32 $0x4080  }
0x6: {  	s16 =	simm.s32 $0x2;
	s17 =	simm.s32 $0x0;
	s8 =	smul.u32 $0x1870, s2  }
0x7: {  	[smem:$0x7FF] =	sst s3;
	s6 =	sand.u32 $0x1, s4;
	s31 =	smul.u32 $0x61B00, s2  }
0x8: {  	s30 =	sshll.u32 s2, $0x1;
	s4 =	sadd.s32 $0x186A00, s7;
	s11 =	smul.u32 $0x18700, s6  }
0x9: {  	s5 =	ssub.s32 $0x2, s6;
	s10 =	sor.u32 s6, s30;
	s12 =	smul.u32 $0x30D80, s6  }
0xa: {  	_ =	strace $0x80000047;
	s9 =	sshrl.u32 s5, $0x1;
	s10 =	smul.u32 $0x30D80, s10  }
0xb: {  	s9 =	ssub.s32 s5, s9;
	s5 =	sadd.s32 s8, s1;
	s8 =	sadd.s32 s8, s11  }
0xc: {  	s11 =	simm.s32 $0x1880;
	s10 =	sshrl.u32 s10, $0x3;
	s8 =	sshrl.u32 s8, $0x3  }
0xd: {  	s6 =	sadd.s32 s4, s10;
	s7 =	sadd.s32 s7, s8;
	s8 =	smax.u32 s9, $0x1  }
0xe: {  	v0 =	vimm.s32 $0x0;
	v1 =	vimm.s32 $0x1;
	s9 =	sadd.s32 s12, s31;
	s10 =	simm.s32 $0x3;
	s12 =	simm.s32 $0x2C80  }
.LBB2_1:
0xf: {  	s18 =	simm.s32 $0x40;
	s19 =	simm.s32 $0x0  }
.LBB2_2:
0x10: {  	p0 =	sne.s32 s18, $0x6180;
	[tilespmem:s19+$0x0] =	vst v0;
	s19 =	smov.u32 s18;
	s18 =	sadd.s32 $0x40, s18  }
.Ltmp0:
0x11: {  	(pc) =	sbr.rel @p0 .LBB2_2-.Ltmp0, $2  }
0x12: {  	_ =	sdelay $0x2  }
0x13: {  	s19 =	sshra.s32 s19, $0x2  }
0x14: {  	[tilespmem:s19+$0x0] =	vst v0;
	s18 =	simm.s32 $0x0  }
0x15: {  	[spmem:s5] =	stream.linear.scatter [tilespmem:s18], [sflag:$0x3], $0x1870, $0x38;
	[tilespmem:$0x6CF0] =	vst v63  }
0x16: {  	_ =	swait.ge [sflag:s10], $0x1870  }
0x17: {  	[sflag:s10] =	ssyncset.done $0x0  }
0x18: {  	s19 =	simm.s32 $0x0;
	s18 =	simm.s32 $0x40;
	[sflag:s10] =	ssyncadd.s32 $0xFFFFE790  }
.LBB2_4:
0x19: {  	p0 =	sne.s32 s18, $0x4FC0;
	[tilespmem:s19+$0x4080] =	vst v1;
	s19 =	smov.u32 s18;
	s18 =	sadd.s32 $0x40, s18  }
.Ltmp1:
0x1a: {  	(pc) =	sbr.rel @p0 .LBB2_4-.Ltmp1, $2  }
0x1b: {  	_ =	sdelay $0x2  }
0x1c: {  	s19 =	sshra.s32 s19, $0x2  }
0x1d: {  	[tilespmem:s19+$0x4080] =	vst v1;
	s18 =	sadd.s32 $0xFFFCE000, s9  }
0x1e: {  	[bflag:$0x0] =	sbarrier.arrive $0xFFFF;
	s19 =	sadd.s32 $0x33400, s18  }
0x1f: {  	[tilespmem:s11], [sflag:$0x1] =	stream.linear.gather [hbm4b:s6+s3], $0x1400, $0x38;
	[tilespmem:$0x6CF0] =	vst v63  }
0x20: {  	p0 =	slt.s32 s19, $0x619400  }
0x21: {  	s19 =	simm.s32 @!p0 $0x619400  }
0x22: {  	s19 =	sshrl.u32 s19, $0x3  }
0x23: {  	s19 =	sadd.s32 s4, s19  }
0x24: {  	[tilespmem:s12], [sflag:$0x2] =	stream.linear.gather [hbm4b:s19+s3], $0x1400, $0x38;
	[tilespmem:$0x6CF0] =	vst v63  }
0x25: {  	_ =	swait.ge [sflag:s13], $0x1400  }
0x26: {  	s19 =	sadd.s32 $0x34800, s18;
	[sflag:s13] =	ssyncset.done $0x0  }
0x27: {  	p0 =	slt.s32 s19, $0x619400;
	[sflag:s13] =	ssyncadd.s32 $0xFFFFEC00  }
0x28: {  	[spmem:s1] =	stream.indirect.scatter [tilespmem:s15], [sflag:$0x3], $0x1, s11, s14, $0xb8;
	[tilespmem:$0x6CF0] =	vst v63  }
0x29: {  	s19 =	simm.s32 @!p0 $0x619400;
	_ =	swait.ge [sflag:s10], $0x1400  }
0x2a: {  	s21 =	sadd.s32 $0xFFFD0800, s9;
	s19 =	sshrl.u32 s19, $0x3;
	[sflag:s10] =	ssyncset.done $0x0  }
0x2b: {  	s20 =	sadd.s32 $0x33400, s21;
	s19 =	sadd.s32 s4, s19;
	[sflag:s10] =	ssyncadd.s32 $0xFFFFEC00  }
0x2c: {  	[tilespmem:s11], [sflag:$0x1] =	stream.linear.gather [hbm4b:s19+s3], $0x1400, $0x38;
	[tilespmem:$0x6CF0] =	vst v63  }
0x2d: {  	s18 =	simm.s32 $0xFFFD3000;
	s19 =	sadd.s32 $0x34800, s21;
	_ =	swait.ge [sflag:s16], $0x1400  }
0x2e: {  	p0 =	slt.s32 s20, $0x619400;
	p1 =	slt.s32 s19, $0x619400;
	[sflag:s16] =	ssyncset.done $0x0  }
0x2f: {  	s20 =	simm.s32 @!p0 $0x619400;
	s19 =	simm.s32 @!p1 $0x619400;
	[sflag:s16] =	ssyncadd.s32 $0xFFFFEC00  }
.LBB2_6:
0x30: {  	p0 =	sne.s32 s18, $0xFFFFD800  }
0x31: {  	s20 =	sshrl.u32 s20, $0x3;
	s21 =	smov.u32 s18;
	s18 =	sadd.s32 $0x2800, s18  }
0x32: {  	[spmem:s1] =	stream.indirect.scatter [tilespmem:s15], [sflag:$0x3], $0x1, s12, s14, $0xb8;
	[tilespmem:$0x6CF0] =	vst v63  }
0x33: {  	_ =	swait.ge [sflag:s10], $0x1400  }
0x34: {  	[sflag:s10] =	ssyncset.done $0x0  }
0x35: {  	s20 =	sadd.s32 s4, s20;
	[sflag:s10] =	ssyncadd.s32 $0xFFFFEC00  }
0x36: {  	[tilespmem:s12], [sflag:$0x2] =	stream.linear.gather [hbm4b:s20+s3], $0x1400, $0x38;
	[tilespmem:$0x6CF0] =	vst v63  }
0x37: {  	_ =	swait.ge [sflag:s13], $0x1400  }
0x38: {  	[sflag:s13] =	ssyncset.done $0x0  }
0x39: {  	[sflag:s13] =	ssyncadd.s32 $0xFFFFEC00  }
0x3a: {  	[spmem:s1] =	stream.indirect.scatter [tilespmem:s15], [sflag:$0x3], $0x1, s11, s14, $0xb8;
	[tilespmem:$0x6CF0] =	vst v63  }
0x3b: {  	_ =	swait.ge [sflag:s10], $0x1400  }
0x3c: {  	s19 =	sshrl.u32 s19, $0x3;
	s21 =	sadd.s32 s21, s9;
	[sflag:s10] =	ssyncset.done $0x0  }
.Ltmp2:
0x3d: {  	s19 =	sadd.s32 s4, s19;
	[sflag:s10] =	ssyncadd.s32 $0xFFFFEC00;
	(pc) =	sbr.rel @p0 .LBB2_6-.Ltmp2, $4  }
0x3e: {  	[tilespmem:s11], [sflag:$0x1] =	stream.linear.gather [hbm4b:s19+s3], $0x1400, $0x38;
	[tilespmem:$0x6CF0] =	vst v63  }
0x3f: {  	s20 =	sadd.s32 $0x33400, s21;
	s19 =	sadd.s32 $0x34800, s21;
	_ =	swait.ge [sflag:s16], $0x1400  }
0x40: {  	p1 =	slt.s32 s20, $0x619400;
	p2 =	slt.s32 s19, $0x619400;
	[sflag:s16] =	ssyncset.done $0x0  }
0x41: {  	s20 =	simm.s32 @!p1 $0x619400;
	s19 =	simm.s32 @!p2 $0x619400;
	[sflag:s16] =	ssyncadd.s32 $0xFFFFEC00  }
0x42: {  	[spmem:s1] =	stream.indirect.scatter [tilespmem:s15], [sflag:$0x3], $0x1, s12, s14, $0xb8;
	[tilespmem:$0x6CF0] =	vst v63  }
0x43: {  	_ =	swait.ge [sflag:s10], $0x1400  }
0x44: {  	s18 =	sshrl.u32 s20, $0x3;
	[sflag:s10] =	ssyncset.done $0x0  }
0x45: {  	s18 =	sadd.s32 s4, s18;
	[sflag:s10] =	ssyncadd.s32 $0xFFFFEC00  }
0x46: {  	[tilespmem:s12], [sflag:$0x2] =	stream.linear.gather [hbm4b:s18+s3], $0x1400, $0x38;
	[tilespmem:$0x6CF0] =	vst v63  }
0x47: {  	_ =	swait.ge [sflag:s13], $0x1400  }
0x48: {  	[sflag:s13] =	ssyncset.done $0x0  }
0x49: {  	[sflag:s13] =	ssyncadd.s32 $0xFFFFEC00  }
0x4a: {  	[spmem:s1] =	stream.indirect.scatter [tilespmem:s15], [sflag:$0x3], $0x1, s11, s14, $0xb8;
	[tilespmem:$0x6CF0] =	vst v63  }
0x4b: {  	_ =	swait.ge [sflag:s10], $0x1400  }
0x4c: {  	s31 =	sshrl.u32 s19, $0x3;
	[sflag:s10] =	ssyncset.done $0x0  }
0x4d: {  	s18 =	sadd.s32 s4, s31;
	[sflag:s10] =	ssyncadd.s32 $0xFFFFEC00  }
0x4e: {  	[tilespmem:s11], [sflag:$0x1] =	stream.linear.gather [hbm4b:s18+s3], $0x1400, $0x38;
	[tilespmem:$0x6CF0] =	vst v63  }
0x4f: {  	_ =	swait.ge [sflag:s16], $0x1400  }
0x50: {  	[sflag:s16] =	ssyncset.done $0x0  }
0x51: {  	[sflag:s16] =	ssyncadd.s32 $0xFFFFEC00  }
0x52: {  	[spmem:s1] =	stream.indirect.scatter [tilespmem:s15], [sflag:$0x3], $0x1, s12, s14, $0xb8;
	[tilespmem:$0x6CF0] =	vst v63  }
0x53: {  	_ =	swait.ge [sflag:s10], $0x1400  }
0x54: {  	[sflag:s10] =	ssyncset.done $0x0  }
0x55: {  	[sflag:s10] =	ssyncadd.s32 $0xFFFFEC00  }
0x56: {  	_ =	swait.ge [sflag:s13], $0x1400  }
0x57: {  	[sflag:s13] =	ssyncset.done $0x0  }
0x58: {  	[sflag:s13] =	ssyncadd.s32 $0xFFFFEC00  }
0x59: {  	[bflag:$0x0] =	sbarrier.arrive $0xFFFF  }
0x5a: {  	[tilespmem:s3], [sflag:$0x3] =	stream.linear.gather [spmem:s5], $0x1870, $0x38;
	[tilespmem:$0x6CF0] =	vst v63  }
0x5b: {  	s17 =	sadd.s32 $0x1, s17;
	_ =	swait.ge [sflag:s10], $0x1870  }
0x5c: {  	p0 =	sne.s32 s17, s8;
	[sflag:s10] =	ssyncset.done $0x0  }
.Ltmp3:
0x5d: {  	[sflag:s10] =	ssyncadd.s32 $0xFFFFE790;
	(pc) =	sbr.rel @p0 .LBB2_1-.Ltmp3, $4  }
0x5e: {  	[hbm4b:s7+s3] =	stream.linear.scatter [tilespmem:s3], [sflag:$0x3], $0x1870, $0x38;
	[tilespmem:$0x6CF0] =	vst v63  }
0x5f: {  	_ =	swait.ge [sflag:s10], $0x1870  }
0x60: {  	[sflag:s10] =	ssyncset.done $0x0  }
0x61: {  	[sflag:s10] =	ssyncadd.s32 $0xFFFFE790  }
0x62: {  	_ =	sfence.sel $0x180000  }
0x63: {  	[bflag:$0x0] =	sbarrier.arrive $0xFFFF  }
0x64: {  	p0 =	sne.s32 s2, $0x0;
	_ =	strace $0x90000047  }
0x65: {  	s0 =	sadd.s32 @!p0 $0x100000, s0;
	[bflag:$0x2] =	sbarrier.arrive $0xFFFF  }
0x66: {  	[sflag:s0] =	ssyncadd.tile.s32 @!p0 $0x1;
	_ =	shalt  }
.Lfunc_end2:
_tile_overlayer_lowered:
.L_overlay_start_2:
0x67: {  	(tag) =	ssettag $0x2  }
0x68: {  	s0 =	rddreg [dreg:$0x0];
	s2 =	stileid.u32  }
0x69: {  	s1 =	rddreg [dreg:$0x1];
	p0 =	sne.s32 s2, $0x0  }
0x6a: {  	s3 =	rddreg [dreg:$0x2];
	[bflag:$0x3] =	sbarrier.arrive $0xFFFF;
	s2 =	simm.s32 @!p0 $0x1C03  }
0x6b: {  	[timem:s3], [sflag:s2] =	dma.local @!p0 [hbm:s0], s1  }
0x6c: {  	s0 =	simm.s32 @!p0 $0x3  }
0x6d: {  	_ =	swait.ge @!p0 [sflag:s0], s1  }
0x6e: {  	s1 =	ssub.s32 @!p0 $0x0, s1;
	[sflag:s0] =	ssyncset.done @!p0 $0x0  }
0x6f: {  	[sflag:s0] =	ssyncadd.s32 @!p0 s1  }
0x70: {  	[bflag:$0x3] =	sbarrier.arrive $0xFFFF  }
0x71: {  	_ =	shalt  }

</sc_bundles>
